<compile_context>
chip_gen: v7x
topology: tpu7x:2x2x1
jax: 0.10.2.dev20260603
libtpu: 0.0.44.dev20260713+nightly
codegen_flags: <defaults>
</compile_context>

<pallas_src>
import jax
import jax.numpy as jnp
from jax import lax
from jax.experimental import pallas as pl
from jax.experimental.pallas import tpu as pltpu
from jax.experimental.pallas import tpu_sc as plsc

N_NODES = 10000
N_CLIQUES = 5000
N_EDGES = 320000
D = 128

NC = 2
NS = 16
NW = NC * NS
L = 16
CH = 64
NSLOT = 4
E_PAD = 327680
TOTCH = E_PAD // CH
A_CH = 248
B_CH = 72
TRASH = 5119
C_PAD = 5120
ROWS_PER_TILE = C_PAD // NS
ZR = 32


def _sc_body(x_hbm, nidx_hbm, cidx_hbm, zeros_hbm,
             psum_hbm, pcnt_hbm,
             nrow0, crow0, nrow1, crow1, nrow2, crow2, nrow3, crow3,
             buf0, buf1, buf2, buf3, cnt_v, zv,
             acc, sg0, sg1, sg2, sg3, ss0, ss1, ss2, ss3,
             si0, si1, si2, si3):
    nrows = [nrow0, nrow1, nrow2, nrow3]
    crows = [crow0, crow1, crow2, crow3]
    bufs = [buf0, buf1, buf2, buf3]
    sgs = [sg0, sg1, sg2, sg3]
    sss = [ss0, ss1, ss2, ss3]
    sis = [si0, si1, si2, si3]

    cid = lax.axis_index("c")
    sid = lax.axis_index("s")
    wid = cid * NS + sid

    pltpu.sync_copy(zeros_hbm, zv)

    z16 = jnp.zeros((L,), jnp.float32)

    @pl.loop(0, C_PAD // L)
    def _zero_cnt(i):
        cnt_v[pl.ds(i * L, L)] = z16

    r0 = sid * ROWS_PER_TILE
    for z in range(ROWS_PER_TILE // ZR):
        pltpu.sync_copy(zv, acc.at[pl.ds(r0 + z * ZR, ZR)])
    plsc.subcore_barrier()

    one16 = jnp.ones((L,), jnp.float32)

    def idx_start(ch, s):
        pltpu.async_copy(nidx_hbm.at[ch], nrows[s], sis[s])
        pltpu.async_copy(cidx_hbm.at[ch], crows[s], sis[s])

    def idx_wait(s):
        pltpu.make_async_copy(nidx_hbm.at[0], nrows[s], sis[s]).wait()
        pltpu.make_async_copy(cidx_hbm.at[0], crows[s], sis[s]).wait()

    def gather_start(s):
        pltpu.async_copy(x_hbm.at[nrows[s]], bufs[s], sgs[s])

    def gather_wait(s):
        pltpu.make_async_copy(x_hbm.at[nrows[s]], bufs[s], sgs[s]).wait()

    def scatter_start(s):
        pltpu.async_copy(bufs[s], acc.at[crows[s]], sss[s], add=True)

    def scatter_wait(s):
        pltpu.make_async_copy(bufs[s], acc.at[crows[s]], sss[s]).wait()

    def counts(s):
        for k in range(CH // L):
            idx = crows[s][pl.ds(k * L, L)]
            plsc.addupdate_scatter(cnt_v, [idx], one16)

    def pipeline(base, ngroup):
        for s in range(NSLOT):
            idx_start(base + s, s)

        def loop_body(g, _):
            j = base + g * NSLOT
            for s in range(NSLOT):
                idx_wait(s)
                gather_start(s)
            for s in range(NSLOT):
                gather_wait(s)
                scatter_start(s)
                counts(s)
            for s in range(NSLOT):
                scatter_wait(s)
                idx_start(j + NSLOT + s, s)
            return 0

        lax.fori_loop(0, ngroup - 1, loop_body, 0)

        for s in range(NSLOT):
            idx_wait(s)
            gather_start(s)
        for s in range(NSLOT):
            gather_wait(s)
            scatter_start(s)
            counts(s)
        for s in range(NSLOT):
            scatter_wait(s)

    @pl.when(cid == 0)
    def _fast_core():
        pipeline(sid * A_CH, A_CH // NSLOT)

    @pl.when(cid == 1)
    def _slow_core():
        pipeline(NS * A_CH + sid * B_CH, B_CH // NSLOT)

    plsc.subcore_barrier()

    pltpu.sync_copy(acc.at[pl.ds(r0, ROWS_PER_TILE)],
                    psum_hbm.at[cid, pl.ds(r0, ROWS_PER_TILE)])
    pltpu.sync_copy(cnt_v, pcnt_hbm.at[wid])


@jax.jit
def _sc_segment_sum(x, nidx, cidx, zeros):
    mesh = plsc.VectorSubcoreMesh(core_axis_name="c", subcore_axis_name="s",
                                  num_cores=NC, num_subcores=NS)
    return pl.kernel(
        _sc_body,
        out_type=[
            jax.ShapeDtypeStruct((NC, C_PAD, D), jnp.float32),
            jax.ShapeDtypeStruct((NW, C_PAD), jnp.float32),
        ],
        mesh=mesh,
        compiler_params=pltpu.CompilerParams(needs_layout_passes=False),
        scratch_types=[
            pltpu.VMEM((CH,), jnp.int32) for _ in range(2 * NSLOT)
        ] + [
            pltpu.VMEM((CH, D), jnp.float32) for _ in range(NSLOT)
        ] + [
            pltpu.VMEM((C_PAD,), jnp.float32),
            pltpu.VMEM((ZR, D), jnp.float32),
            pltpu.VMEM_SHARED((C_PAD, D), jnp.float32),
        ] + [pltpu.SemaphoreType.DMA for _ in range(3 * NSLOT)],
    )(x, nidx, cidx, zeros)


def _tc_body(psum_ref, pcnt_ref, w_ref, b_ref, out_ref):
    s = psum_ref[0] + psum_ref[1]
    c = jnp.sum(pcnt_ref[...], axis=1, keepdims=True)
    mean = s / jnp.maximum(c, 1.0)
    out_ref[...] = lax.dot_general(
        mean, w_ref[...], (((1,), (1,)), ((), ())),
        preferred_element_type=jnp.float32) + b_ref[...]


@jax.jit
def _tc_finish(psum, pcnt_t, W, b2d):
    return pl.pallas_call(
        _tc_body,
        out_shape=jax.ShapeDtypeStruct((C_PAD, D), jnp.float32),
    )(psum, pcnt_t, W, b2d)


def kernel(x, x_clique, node2clique_index, W, b):
    pad = E_PAD - N_EDGES
    nidx = jnp.concatenate(
        [node2clique_index[0], jnp.zeros((pad,), jnp.int32)]
    ).reshape(TOTCH, CH)
    cidx = jnp.concatenate(
        [node2clique_index[1], jnp.full((pad,), TRASH, jnp.int32)]
    ).reshape(TOTCH, CH)
    zeros = jnp.zeros((ZR, D), jnp.float32)
    psum, pcnt = _sc_segment_sum(x, nidx, cidx, zeros)
    out = _tc_finish(psum, pcnt.T, W, b.reshape(1, D))
    return out[:N_CLIQUES]

# --- scband reference (transcript-rebuilt; emitter-appended) ---
"""Pipeline reference for scband-node2-clique-conv-basic-3547642987230 (READ-ONLY COPY).

The authoritative reference and input builder live on the scoring server;
editing this copy changes nothing except your own understanding.
"""

import jax, jax.numpy as jnp
import numpy as np

N_NODES = 10000
N_CLIQUES = 5000
N_EDGES = 320000
D_IN = 128
D_OUT = 128


def setup_inputs(seed: int = 0) -> dict:
    key = jax.random.key(seed)
    k1, k2, k3, k4, k5 = jax.random.split(key, 5)
    x = jax.random.normal(k1, (N_NODES, D_IN), dtype=jnp.float32)
    x_clique = jax.random.normal(k2, (N_CLIQUES, D_IN), dtype=jnp.float32)
    # Both rows drawn in [0, N_CLIQUES) so node indices (< N_NODES) and clique
    # indices (< N_CLIQUES) are all in range.
    node2clique_index = jax.random.randint(k3, (2, N_EDGES), 0, N_CLIQUES, dtype=jnp.int32)
    # Linear layer parameters (torch.nn.Linear(in_channels, out_channels)):
    W = jax.random.normal(k4, (D_OUT, D_IN), dtype=jnp.float32) * 0.05
    b = jax.random.normal(k5, (D_OUT,), dtype=jnp.float32) * 0.05
    return {"x": x, "x_clique": x_clique, "node2clique_index": node2clique_index, "W": W, "b": b}


def reference(x, x_clique, node2clique_index, W, b):
    node_idx = node2clique_index[0]
    clique_idx = node2clique_index[1]
    gathered = jnp.take(x, node_idx, axis=0)  # [E, D_IN]
    num_cliques = x_clique.shape[0]
    sums = jax.ops.segment_sum(gathered, clique_idx, num_segments=num_cliques)
    counts = jax.ops.segment_sum(
        jnp.ones((gathered.shape[0],), dtype=x.dtype), clique_idx, num_segments=num_cliques
    )
    # scatter-mean semantics: empty segments produce 0
    mean = sums / jnp.maximum(counts, 1.0)[:, None]
    out = mean @ W.T + b
    return out

if __name__ == "__main__":
    import jax
    _d = setup_inputs()
    print(jax.jit(kernel)(*tuple(_d.values())))

</pallas_src>

<mosaic_0001>
#map = affine_map<(d0, d1) -> (0, 0)>
#map1 = affine_map<(d0, d1) -> (0, 0, 0)>
module attributes {stable_mosaic.version = 14 : i64} {
  func.func @_sc_body(%arg0: i32, %arg1: i32, %arg2: memref<10000x128xf32, #tpu.memory_space<hbm>>, %arg3: memref<5120x64xi32, #tpu.memory_space<hbm>>, %arg4: memref<5120x64xi32, #tpu.memory_space<hbm>>, %arg5: memref<32x128xf32, #tpu.memory_space<hbm>>, %arg6: memref<2x5120x128xf32, #tpu.memory_space<hbm>>, %arg7: memref<32x5120xf32, #tpu.memory_space<hbm>>, %arg8: memref<64xi32, #tpu.memory_space<vmem>>, %arg9: memref<64xi32, #tpu.memory_space<vmem>>, %arg10: memref<64xi32, #tpu.memory_space<vmem>>, %arg11: memref<64xi32, #tpu.memory_space<vmem>>, %arg12: memref<64xi32, #tpu.memory_space<vmem>>, %arg13: memref<64xi32, #tpu.memory_space<vmem>>, %arg14: memref<64xi32, #tpu.memory_space<vmem>>, %arg15: memref<64xi32, #tpu.memory_space<vmem>>, %arg16: memref<64x128xf32, #tpu.memory_space<vmem>>, %arg17: memref<64x128xf32, #tpu.memory_space<vmem>>, %arg18: memref<64x128xf32, #tpu.memory_space<vmem>>, %arg19: memref<64x128xf32, #tpu.memory_space<vmem>>, %arg20: memref<5120xf32, #tpu.memory_space<vmem>>, %arg21: memref<32x128xf32, #tpu.memory_space<vmem>>, %arg22: memref<5120x128xf32, #tpu.memory_space<vmem_shared>>, %arg23: memref<!tpu.dma_semaphore, #tpu.memory_space<semaphore_mem>>, %arg24: memref<!tpu.dma_semaphore, #tpu.memory_space<semaphore_mem>>, %arg25: memref<!tpu.dma_semaphore, #tpu.memory_space<semaphore_mem>>, %arg26: memref<!tpu.dma_semaphore, #tpu.memory_space<semaphore_mem>>, %arg27: memref<!tpu.dma_semaphore, #tpu.memory_space<semaphore_mem>>, %arg28: memref<!tpu.dma_semaphore, #tpu.memory_space<semaphore_mem>>, %arg29: memref<!tpu.dma_semaphore, #tpu.memory_space<semaphore_mem>>, %arg30: memref<!tpu.dma_semaphore, #tpu.memory_space<semaphore_mem>>, %arg31: memref<!tpu.dma_semaphore, #tpu.memory_space<semaphore_mem>>, %arg32: memref<!tpu.dma_semaphore, #tpu.memory_space<semaphore_mem>>, %arg33: memref<!tpu.dma_semaphore, #tpu.memory_space<semaphore_mem>>, %arg34: memref<!tpu.dma_semaphore, #tpu.memory_space<semaphore_mem>>) attributes {dimension_semantics = [#tpu.dimension_semantics<core_parallel>, #tpu.dimension_semantics<subcore_parallel>], iteration_bounds = array<i64: 2, 16>, scalar_prefetch = 0 : i64, scratch_operands = 27 : i64, tpu.core_type = #tpu.core_type<sc_vector_subcore>, window_params = [{transform_indices = #map}, {transform_indices = #map}, {transform_indices = #map}, {transform_indices = #map}, {transform_indices = #map1}, {transform_indices = #map}]} {
    %mul3A = arith.constant 16 : i32
    %mul3A_0 = arith.muli %arg0, %mul3A : i32
    %add3A = arith.addi %mul3A_0, %arg1 : i32
    "tpu.region"() ({
      %run_scoped3A = tpu.sem_alloc : memref<!tpu.dma_semaphore, #tpu.memory_space<semaphore_mem>>
      tpu.enqueue_dma source(%arg5 : memref<32x128xf32, #tpu.memory_space<hbm>>) target(%arg21 : memref<32x128xf32, #tpu.memory_space<vmem>>) target_semaphore(%run_scoped3A : memref<!tpu.dma_semaphore, #tpu.memory_space<semaphore_mem>>)
      tpu.wait_dma2 semaphore(%run_scoped3A : memref<!tpu.dma_semaphore, #tpu.memory_space<semaphore_mem>>) src(%arg5 : memref<32x128xf32, #tpu.memory_space<hbm>>) dst(%arg21 : memref<32x128xf32, #tpu.memory_space<vmem>>)
      tpu.yield
    }) : () -> ()
    %broadcast_in_dim3A = arith.constant 0.000000e+00 : f32
    %broadcast_in_dim3A_1 = vector.broadcast %broadcast_in_dim3A : f32 to vector<16xf32>
    %scan3A = arith.constant 0 : i32
    %scan3A_2 = arith.constant 320 : i32
    %scan3A_3 = arith.addi %scan3A, %scan3A_2 : i32
    %scan3A_4 = arith.constant 1 : i32
    scf.for %scan3A_38 = %scan3A to %scan3A_3 step %scan3A_4  : i32 {
      %mul3A_39 = arith.constant 1 : i32
      %mul3A_40 = arith.muli %scan3A_38, %mul3A_39 : i32
      %add3A_41 = arith.constant 0 : i32
      %add3A_42 = arith.addi %add3A_41, %mul3A_40 : i32
      %mul3A_43 = arith.constant 16 : i32
      %mul3A_44 = arith.muli %add3A_42, %mul3A_43 : i32
      %swap3A = arith.index_cast %mul3A_44 : i32 to index
      %swap3A_45 = tpu.vector_load %arg20[%swap3A] {strides = array<i32>} : memref<5120xf32, #tpu.memory_space<vmem>>, vector<16xf32>,
      tpu.vector_store %arg20[%swap3A], %broadcast_in_dim3A_1 {strides = array<i32>} : memref<5120xf32, #tpu.memory_space<vmem>>, vector<16xf32>,
    }
    %scan3A_5 = arith.constant 320 : i32
    %mul3A_6 = arith.constant 320 : i32
    %mul3A_7 = arith.muli %arg1, %mul3A_6 : i32
    %add3A_8 = arith.constant 0 : i32
    %add3A_9 = arith.addi %mul3A_7, %add3A_8 : i32
    "tpu.region"() ({
      %run_scoped3A = tpu.sem_alloc : memref<!tpu.dma_semaphore, #tpu.memory_space<semaphore_mem>>
      %dma_start3A = arith.constant 0 : i32
      %dma_start3A_38 = tpu.memref_slice %arg22[%add3A_9, %dma_start3A] : memref<5120x128xf32, #tpu.memory_space<vmem_shared>> -> memref<32x128xf32, #tpu.memory_space<vmem_shared>>
      %dma_start3A_39 = arith.constant 0 : i32
      %dma_start3A_40 = tpu.memref_slice %arg22[%add3A_9, %dma_start3A_39] : memref<5120x128xf32, #tpu.memory_space<vmem_shared>> -> memref<32x128xf32, #tpu.memory_space<vmem_shared>>
      tpu.enqueue_dma source(%arg21 : memref<32x128xf32, #tpu.memory_space<vmem>>) target(%dma_start3A_40 : memref<32x128xf32, #tpu.memory_space<vmem_shared>>) target_semaphore(%run_scoped3A : memref<!tpu.dma_semaphore, #tpu.memory_space<semaphore_mem>>)
      %dma_wait3A = arith.constant 0 : i32
      %dma_wait3A_41 = tpu.memref_slice %arg22[%add3A_9, %dma_wait3A] : memref<5120x128xf32, #tpu.memory_space<vmem_shared>> -> memref<32x128xf32, #tpu.memory_space<vmem_shared>>
      %dma_wait3A_42 = arith.constant 0 : i32
      %dma_wait3A_43 = tpu.memref_slice %arg22[%add3A_9, %dma_wait3A_42] : memref<5120x128xf32, #tpu.memory_space<vmem_shared>> -> memref<32x128xf32, #tpu.memory_space<vmem_shared>>
      tpu.wait_dma2 semaphore(%run_scoped3A : memref<!tpu.dma_semaphore, #tpu.memory_space<semaphore_mem>>) src(%arg21 : memref<32x128xf32, #tpu.memory_space<vmem>>) dst(%dma_wait3A_43 : memref<32x128xf32, #tpu.memory_space<vmem_shared>>)
      tpu.yield
    }) : () -> ()
    %add3A_10 = arith.constant 32 : i32
    %add3A_11 = arith.addi %mul3A_7, %add3A_10 : i32
    "tpu.region"() ({
      %run_scoped3A = tpu.sem_alloc : memref<!tpu.dma_semaphore, #tpu.memory_space<semaphore_mem>>
      %dma_start3A = arith.constant 0 : i32
      %dma_start3A_38 = tpu.memref_slice %arg22[%add3A_11, %dma_start3A] : memref<5120x128xf32, #tpu.memory_space<vmem_shared>> -> memref<32x128xf32, #tpu.memory_space<vmem_shared>>
      %dma_start3A_39 = arith.constant 0 : i32
      %dma_start3A_40 = tpu.memref_slice %arg22[%add3A_11, %dma_start3A_39] : memref<5120x128xf32, #tpu.memory_space<vmem_shared>> -> memref<32x128xf32, #tpu.memory_space<vmem_shared>>
      tpu.enqueue_dma source(%arg21 : memref<32x128xf32, #tpu.memory_space<vmem>>) target(%dma_start3A_40 : memref<32x128xf32, #tpu.memory_space<vmem_shared>>) target_semaphore(%run_scoped3A : memref<!tpu.dma_semaphore, #tpu.memory_space<semaphore_mem>>)
      %dma_wait3A = arith.constant 0 : i32
      %dma_wait3A_41 = tpu.memref_slice %arg22[%add3A_11, %dma_wait3A] : memref<5120x128xf32, #tpu.memory_space<vmem_shared>> -> memref<32x128xf32, #tpu.memory_space<vmem_shared>>
      %dma_wait3A_42 = arith.constant 0 : i32
      %dma_wait3A_43 = tpu.memref_slice %arg22[%add3A_11, %dma_wait3A_42] : memref<5120x128xf32, #tpu.memory_space<vmem_shared>> -> memref<32x128xf32, #tpu.memory_space<vmem_shared>>
      tpu.wait_dma2 semaphore(%run_scoped3A : memref<!tpu.dma_semaphore, #tpu.memory_space<semaphore_mem>>) src(%arg21 : memref<32x128xf32, #tpu.memory_space<vmem>>) dst(%dma_wait3A_43 : memref<32x128xf32, #tpu.memory_space<vmem_shared>>)
      tpu.yield
    }) : () -> ()
    %add3A_12 = arith.constant 64 : i32
    %add3A_13 = arith.addi %mul3A_7, %add3A_12 : i32
    "tpu.region"() ({
      %run_scoped3A = tpu.sem_alloc : memref<!tpu.dma_semaphore, #tpu.memory_space<semaphore_mem>>
      %dma_start3A = arith.constant 0 : i32
      %dma_start3A_38 = tpu.memref_slice %arg22[%add3A_13, %dma_start3A] : memref<5120x128xf32, #tpu.memory_space<vmem_shared>> -> memref<32x128xf32, #tpu.memory_space<vmem_shared>>
      %dma_start3A_39 = arith.constant 0 : i32
      %dma_start3A_40 = tpu.memref_slice %arg22[%add3A_13, %dma_start3A_39] : memref<5120x128xf32, #tpu.memory_space<vmem_shared>> -> memref<32x128xf32, #tpu.memory_space<vmem_shared>>
      tpu.enqueue_dma source(%arg21 : memref<32x128xf32, #tpu.memory_space<vmem>>) target(%dma_start3A_40 : memref<32x128xf32, #tpu.memory_space<vmem_shared>>) target_semaphore(%run_scoped3A : memref<!tpu.dma_semaphore, #tpu.memory_space<semaphore_mem>>)
      %dma_wait3A = arith.constant 0 : i32
      %dma_wait3A_41 = tpu.memref_slice %arg22[%add3A_13, %dma_wait3A] : memref<5120x128xf32, #tpu.memory_space<vmem_shared>> -> memref<32x128xf32, #tpu.memory_space<vmem_shared>>
      %dma_wait3A_42 = arith.constant 0 : i32
      %dma_wait3A_43 = tpu.memref_slice %arg22[%add3A_13, %dma_wait3A_42] : memref<5120x128xf32, #tpu.memory_space<vmem_shared>> -> memref<32x128xf32, #tpu.memory_space<vmem_shared>>
      tpu.wait_dma2 semaphore(%run_scoped3A : memref<!tpu.dma_semaphore, #tpu.memory_space<semaphore_mem>>) src(%arg21 : memref<32x128xf32, #tpu.memory_space<vmem>>) dst(%dma_wait3A_43 : memref<32x128xf32, #tpu.memory_space<vmem_shared>>)
      tpu.yield
    }) : () -> ()
    %add3A_14 = arith.constant 96 : i32
    %add3A_15 = arith.addi %mul3A_7, %add3A_14 : i32
    "tpu.region"() ({
      %run_scoped3A = tpu.sem_alloc : memref<!tpu.dma_semaphore, #tpu.memory_space<semaphore_mem>>
      %dma_start3A = arith.constant 0 : i32
      %dma_start3A_38 = tpu.memref_slice %arg22[%add3A_15, %dma_start3A] : memref<5120x128xf32, #tpu.memory_space<vmem_shared>> -> memref<32x128xf32, #tpu.memory_space<vmem_shared>>
      %dma_start3A_39 = arith.constant 0 : i32
      %dma_start3A_40 = tpu.memref_slice %arg22[%add3A_15, %dma_start3A_39] : memref<5120x128xf32, #tpu.memory_space<vmem_shared>> -> memref<32x128xf32, #tpu.memory_space<vmem_shared>>
      tpu.enqueue_dma source(%arg21 : memref<32x128xf32, #tpu.memory_space<vmem>>) target(%dma_start3A_40 : memref<32x128xf32, #tpu.memory_space<vmem_shared>>) target_semaphore(%run_scoped3A : memref<!tpu.dma_semaphore, #tpu.memory_space<semaphore_mem>>)
      %dma_wait3A = arith.constant 0 : i32
      %dma_wait3A_41 = tpu.memref_slice %arg22[%add3A_15, %dma_wait3A] : memref<5120x128xf32, #tpu.memory_space<vmem_shared>> -> memref<32x128xf32, #tpu.memory_space<vmem_shared>>
      %dma_wait3A_42 = arith.constant 0 : i32
      %dma_wait3A_43 = tpu.memref_slice %arg22[%add3A_15, %dma_wait3A_42] : memref<5120x128xf32, #tpu.memory_space<vmem_shared>> -> memref<32x128xf32, #tpu.memory_space<vmem_shared>>
      tpu.wait_dma2 semaphore(%run_scoped3A : memref<!tpu.dma_semaphore, #tpu.memory_space<semaphore_mem>>) src(%arg21 : memref<32x128xf32, #tpu.memory_space<vmem>>) dst(%dma_wait3A_43 : memref<32x128xf32, #tpu.memory_space<vmem_shared>>)
      tpu.yield
    }) : () -> ()
    %add3A_16 = arith.constant 128 : i32
    %add3A_17 = arith.addi %mul3A_7, %add3A_16 : i32
    "tpu.region"() ({
      %run_scoped3A = tpu.sem_alloc : memref<!tpu.dma_semaphore, #tpu.memory_space<semaphore_mem>>
      %dma_start3A = arith.constant 0 : i32
      %dma_start3A_38 = tpu.memref_slice %arg22[%add3A_17, %dma_start3A] : memref<5120x128xf32, #tpu.memory_space<vmem_shared>> -> memref<32x128xf32, #tpu.memory_space<vmem_shared>>
      %dma_start3A_39 = arith.constant 0 : i32
      %dma_start3A_40 = tpu.memref_slice %arg22[%add3A_17, %dma_start3A_39] : memref<5120x128xf32, #tpu.memory_space<vmem_shared>> -> memref<32x128xf32, #tpu.memory_space<vmem_shared>>
      tpu.enqueue_dma source(%arg21 : memref<32x128xf32, #tpu.memory_space<vmem>>) target(%dma_start3A_40 : memref<32x128xf32, #tpu.memory_space<vmem_shared>>) target_semaphore(%run_scoped3A : memref<!tpu.dma_semaphore, #tpu.memory_space<semaphore_mem>>)
      %dma_wait3A = arith.constant 0 : i32
      %dma_wait3A_41 = tpu.memref_slice %arg22[%add3A_17, %dma_wait3A] : memref<5120x128xf32, #tpu.memory_space<vmem_shared>> -> memref<32x128xf32, #tpu.memory_space<vmem_shared>>
      %dma_wait3A_42 = arith.constant 0 : i32
      %dma_wait3A_43 = tpu.memref_slice %arg22[%add3A_17, %dma_wait3A_42] : memref<5120x128xf32, #tpu.memory_space<vmem_shared>> -> memref<32x128xf32, #tpu.memory_space<vmem_shared>>
      tpu.wait_dma2 semaphore(%run_scoped3A : memref<!tpu.dma_semaphore, #tpu.memory_space<semaphore_mem>>) src(%arg21 : memref<32x128xf32, #tpu.memory_space<vmem>>) dst(%dma_wait3A_43 : memref<32x128xf32, #tpu.memory_space<vmem_shared>>)
      tpu.yield
    }) : () -> ()
    %add3A_18 = arith.constant 160 : i32
    %add3A_19 = arith.addi %mul3A_7, %add3A_18 : i32
    "tpu.region"() ({
      %run_scoped3A = tpu.sem_alloc : memref<!tpu.dma_semaphore, #tpu.memory_space<semaphore_mem>>
      %dma_start3A = arith.constant 0 : i32
      %dma_start3A_38 = tpu.memref_slice %arg22[%add3A_19, %dma_start3A] : memref<5120x128xf32, #tpu.memory_space<vmem_shared>> -> memref<32x128xf32, #tpu.memory_space<vmem_shared>>
      %dma_start3A_39 = arith.constant 0 : i32
      %dma_start3A_40 = tpu.memref_slice %arg22[%add3A_19, %dma_start3A_39] : memref<5120x128xf32, #tpu.memory_space<vmem_shared>> -> memref<32x128xf32, #tpu.memory_space<vmem_shared>>
      tpu.enqueue_dma source(%arg21 : memref<32x128xf32, #tpu.memory_space<vmem>>) target(%dma_start3A_40 : memref<32x128xf32, #tpu.memory_space<vmem_shared>>) target_semaphore(%run_scoped3A : memref<!tpu.dma_semaphore, #tpu.memory_space<semaphore_mem>>)
      %dma_wait3A = arith.constant 0 : i32
      %dma_wait3A_41 = tpu.memref_slice %arg22[%add3A_19, %dma_wait3A] : memref<5120x128xf32, #tpu.memory_space<vmem_shared>> -> memref<32x128xf32, #tpu.memory_space<vmem_shared>>
      %dma_wait3A_42 = arith.constant 0 : i32
      %dma_wait3A_43 = tpu.memref_slice %arg22[%add3A_19, %dma_wait3A_42] : memref<5120x128xf32, #tpu.memory_space<vmem_shared>> -> memref<32x128xf32, #tpu.memory_space<vmem_shared>>
      tpu.wait_dma2 semaphore(%run_scoped3A : memref<!tpu.dma_semaphore, #tpu.memory_space<semaphore_mem>>) src(%arg21 : memref<32x128xf32, #tpu.memory_space<vmem>>) dst(%dma_wait3A_43 : memref<32x128xf32, #tpu.memory_space<vmem_shared>>)
      tpu.yield
    }) : () -> ()
    %add3A_20 = arith.constant 192 : i32
    %add3A_21 = arith.addi %mul3A_7, %add3A_20 : i32
    "tpu.region"() ({
      %run_scoped3A = tpu.sem_alloc : memref<!tpu.dma_semaphore, #tpu.memory_space<semaphore_mem>>
      %dma_start3A = arith.constant 0 : i32
      %dma_start3A_38 = tpu.memref_slice %arg22[%add3A_21, %dma_start3A] : memref<5120x128xf32, #tpu.memory_space<vmem_shared>> -> memref<32x128xf32, #tpu.memory_space<vmem_shared>>
      %dma_start3A_39 = arith.constant 0 : i32
      %dma_start3A_40 = tpu.memref_slice %arg22[%add3A_21, %dma_start3A_39] : memref<5120x128xf32, #tpu.memory_space<vmem_shared>> -> memref<32x128xf32, #tpu.memory_space<vmem_shared>>
      tpu.enqueue_dma source(%arg21 : memref<32x128xf32, #tpu.memory_space<vmem>>) target(%dma_start3A_40 : memref<32x128xf32, #tpu.memory_space<vmem_shared>>) target_semaphore(%run_scoped3A : memref<!tpu.dma_semaphore, #tpu.memory_space<semaphore_mem>>)
      %dma_wait3A = arith.constant 0 : i32
      %dma_wait3A_41 = tpu.memref_slice %arg22[%add3A_21, %dma_wait3A] : memref<5120x128xf32, #tpu.memory_space<vmem_shared>> -> memref<32x128xf32, #tpu.memory_space<vmem_shared>>
      %dma_wait3A_42 = arith.constant 0 : i32
      %dma_wait3A_43 = tpu.memref_slice %arg22[%add3A_21, %dma_wait3A_42] : memref<5120x128xf32, #tpu.memory_space<vmem_shared>> -> memref<32x128xf32, #tpu.memory_space<vmem_shared>>
      tpu.wait_dma2 semaphore(%run_scoped3A : memref<!tpu.dma_semaphore, #tpu.memory_space<semaphore_mem>>) src(%arg21 : memref<32x128xf32, #tpu.memory_space<vmem>>) dst(%dma_wait3A_43 : memref<32x128xf32, #tpu.memory_space<vmem_shared>>)
      tpu.yield
    }) : () -> ()
    %add3A_22 = arith.constant 224 : i32
    %add3A_23 = arith.addi %mul3A_7, %add3A_22 : i32
    "tpu.region"() ({
      %run_scoped3A = tpu.sem_alloc : memref<!tpu.dma_semaphore, #tpu.memory_space<semaphore_mem>>
      %dma_start3A = arith.constant 0 : i32
      %dma_start3A_38 = tpu.memref_slice %arg22[%add3A_23, %dma_start3A] : memref<5120x128xf32, #tpu.memory_space<vmem_shared>> -> memref<32x128xf32, #tpu.memory_space<vmem_shared>>
      %dma_start3A_39 = arith.constant 0 : i32
      %dma_start3A_40 = tpu.memref_slice %arg22[%add3A_23, %dma_start3A_39] : memref<5120x128xf32, #tpu.memory_space<vmem_shared>> -> memref<32x128xf32, #tpu.memory_space<vmem_shared>>
      tpu.enqueue_dma source(%arg21 : memref<32x128xf32, #tpu.memory_space<vmem>>) target(%dma_start3A_40 : memref<32x128xf32, #tpu.memory_space<vmem_shared>>) target_semaphore(%run_scoped3A : memref<!tpu.dma_semaphore, #tpu.memory_space<semaphore_mem>>)
      %dma_wait3A = arith.constant 0 : i32
      %dma_wait3A_41 = tpu.memref_slice %arg22[%add3A_23, %dma_wait3A] : memref<5120x128xf32, #tpu.memory_space<vmem_shared>> -> memref<32x128xf32, #tpu.memory_space<vmem_shared>>
      %dma_wait3A_42 = arith.constant 0 : i32
      %dma_wait3A_43 = tpu.memref_slice %arg22[%add3A_23, %dma_wait3A_42] : memref<5120x128xf32, #tpu.memory_space<vmem_shared>> -> memref<32x128xf32, #tpu.memory_space<vmem_shared>>
      tpu.wait_dma2 semaphore(%run_scoped3A : memref<!tpu.dma_semaphore, #tpu.memory_space<semaphore_mem>>) src(%arg21 : memref<32x128xf32, #tpu.memory_space<vmem>>) dst(%dma_wait3A_43 : memref<32x128xf32, #tpu.memory_space<vmem_shared>>)
      tpu.yield
    }) : () -> ()
    %add3A_24 = arith.constant 256 : i32
    %add3A_25 = arith.addi %mul3A_7, %add3A_24 : i32
    "tpu.region"() ({
      %run_scoped3A = tpu.sem_alloc : memref<!tpu.dma_semaphore, #tpu.memory_space<semaphore_mem>>
      %dma_start3A = arith.constant 0 : i32
      %dma_start3A_38 = tpu.memref_slice %arg22[%add3A_25, %dma_start3A] : memref<5120x128xf32, #tpu.memory_space<vmem_shared>> -> memref<32x128xf32, #tpu.memory_space<vmem_shared>>
      %dma_start3A_39 = arith.constant 0 : i32
      %dma_start3A_40 = tpu.memref_slice %arg22[%add3A_25, %dma_start3A_39] : memref<5120x128xf32, #tpu.memory_space<vmem_shared>> -> memref<32x128xf32, #tpu.memory_space<vmem_shared>>
      tpu.enqueue_dma source(%arg21 : memref<32x128xf32, #tpu.memory_space<vmem>>) target(%dma_start3A_40 : memref<32x128xf32, #tpu.memory_space<vmem_shared>>) target_semaphore(%run_scoped3A : memref<!tpu.dma_semaphore, #tpu.memory_space<semaphore_mem>>)
      %dma_wait3A = arith.constant 0 : i32
      %dma_wait3A_41 = tpu.memref_slice %arg22[%add3A_25, %dma_wait3A] : memref<5120x128xf32, #tpu.memory_space<vmem_shared>> -> memref<32x128xf32, #tpu.memory_space<vmem_shared>>
      %dma_wait3A_42 = arith.constant 0 : i32
      %dma_wait3A_43 = tpu.memref_slice %arg22[%add3A_25, %dma_wait3A_42] : memref<5120x128xf32, #tpu.memory_space<vmem_shared>> -> memref<32x128xf32, #tpu.memory_space<vmem_shared>>
      tpu.wait_dma2 semaphore(%run_scoped3A : memref<!tpu.dma_semaphore, #tpu.memory_space<semaphore_mem>>) src(%arg21 : memref<32x128xf32, #tpu.memory_space<vmem>>) dst(%dma_wait3A_43 : memref<32x128xf32, #tpu.memory_space<vmem_shared>>)
      tpu.yield
    }) : () -> ()
    %add3A_26 = arith.constant 288 : i32
    %add3A_27 = arith.addi %mul3A_7, %add3A_26 : i32
    "tpu.region"() ({
      %run_scoped3A = tpu.sem_alloc : memref<!tpu.dma_semaphore, #tpu.memory_space<semaphore_mem>>
      %dma_start3A = arith.constant 0 : i32
      %dma_start3A_38 = tpu.memref_slice %arg22[%add3A_27, %dma_start3A] : memref<5120x128xf32, #tpu.memory_space<vmem_shared>> -> memref<32x128xf32, #tpu.memory_space<vmem_shared>>
      %dma_start3A_39 = arith.constant 0 : i32
      %dma_start3A_40 = tpu.memref_slice %arg22[%add3A_27, %dma_start3A_39] : memref<5120x128xf32, #tpu.memory_space<vmem_shared>> -> memref<32x128xf32, #tpu.memory_space<vmem_shared>>
      tpu.enqueue_dma source(%arg21 : memref<32x128xf32, #tpu.memory_space<vmem>>) target(%dma_start3A_40 : memref<32x128xf32, #tpu.memory_space<vmem_shared>>) target_semaphore(%run_scoped3A : memref<!tpu.dma_semaphore, #tpu.memory_space<semaphore_mem>>)
      %dma_wait3A = arith.constant 0 : i32
      %dma_wait3A_41 = tpu.memref_slice %arg22[%add3A_27, %dma_wait3A] : memref<5120x128xf32, #tpu.memory_space<vmem_shared>> -> memref<32x128xf32, #tpu.memory_space<vmem_shared>>
      %dma_wait3A_42 = arith.constant 0 : i32
      %dma_wait3A_43 = tpu.memref_slice %arg22[%add3A_27, %dma_wait3A_42] : memref<5120x128xf32, #tpu.memory_space<vmem_shared>> -> memref<32x128xf32, #tpu.memory_space<vmem_shared>>
      tpu.wait_dma2 semaphore(%run_scoped3A : memref<!tpu.dma_semaphore, #tpu.memory_space<semaphore_mem>>) src(%arg21 : memref<32x128xf32, #tpu.memory_space<vmem>>) dst(%dma_wait3A_43 : memref<32x128xf32, #tpu.memory_space<vmem_shared>>)
      tpu.yield
    }) : () -> ()
    %barrier3A = arith.constant 0 : index
    tpu.barrier barrier_id(%barrier3A)
    %broadcast_in_dim3A_28 = arith.constant 1.000000e+00 : f32
    %broadcast_in_dim3A_29 = vector.broadcast %broadcast_in_dim3A_28 : f32 to vector<16xf32>
    %eq3A = arith.constant 0 : i32
    %eq3A_30 = arith.cmpi eq, %arg0, %eq3A : i32
    %convert_element_type3A = arith.extui %eq3A_30 : i1 to i32
    %cond3A = arith.constant 0 : i32
    %cond3A_31 = arith.cmpi ne, %convert_element_type3A, %cond3A : i32
    scf.if %cond3A_31 {
      %mul3A_38 = arith.constant 248 : i32
      %mul3A_39 = arith.muli %arg1, %mul3A_38 : i32
      %add3A_40 = arith.constant 0 : i32
      %add3A_41 = arith.addi %mul3A_39, %add3A_40 : i32
      %dma_start3A = arith.constant 0 : i32
      %dma_start3A_42 = tpu.memref_slice %arg3[%add3A_41, %dma_start3A] : memref<5120x64xi32, #tpu.memory_space<hbm>> -> memref<1x64xi32, #tpu.memory_space<hbm>>
      %dma_start3A_43 = tpu.memref_squeeze %dma_start3A_42 : memref<1x64xi32, #tpu.memory_space<hbm>> -> memref<64xi32, #tpu.memory_space<hbm>>
      %dma_start3A_44 = arith.constant 0 : i32
      %dma_start3A_45 = tpu.memref_slice %arg3[%add3A_41, %dma_start3A_44] : memref<5120x64xi32, #tpu.memory_space<hbm>> -> memref<1x64xi32, #tpu.memory_space<hbm>>
      %dma_start3A_46 = tpu.memref_squeeze %dma_start3A_45 : memref<1x64xi32, #tpu.memory_space<hbm>> -> memref<64xi32, #tpu.memory_space<hbm>>
      tpu.enqueue_dma source(%dma_start3A_46 : memref<64xi32, #tpu.memory_space<hbm>>) target(%arg8 : memref<64xi32, #tpu.memory_space<vmem>>) target_semaphore(%arg31 : memref<!tpu.dma_semaphore, #tpu.memory_space<semaphore_mem>>)
      %dma_start3A_47 = arith.constant 0 : i32
      %dma_start3A_48 = tpu.memref_slice %arg4[%add3A_41, %dma_start3A_47] : memref<5120x64xi32, #tpu.memory_space<hbm>> -> memref<1x64xi32, #tpu.memory_space<hbm>>
      %dma_start3A_49 = tpu.memref_squeeze %dma_start3A_48 : memref<1x64xi32, #tpu.memory_space<hbm>> -> memref<64xi32, #tpu.memory_space<hbm>>
      %dma_start3A_50 = arith.constant 0 : i32
      %dma_start3A_51 = tpu.memref_slice %arg4[%add3A_41, %dma_start3A_50] : memref<5120x64xi32, #tpu.memory_space<hbm>> -> memref<1x64xi32, #tpu.memory_space<hbm>>
      %dma_start3A_52 = tpu.memref_squeeze %dma_start3A_51 : memref<1x64xi32, #tpu.memory_space<hbm>> -> memref<64xi32, #tpu.memory_space<hbm>>
      tpu.enqueue_dma source(%dma_start3A_52 : memref<64xi32, #tpu.memory_space<hbm>>) target(%arg9 : memref<64xi32, #tpu.memory_space<vmem>>) target_semaphore(%arg31 : memref<!tpu.dma_semaphore, #tpu.memory_space<semaphore_mem>>)
      %add3A_53 = arith.constant 1 : i32
      %add3A_54 = arith.addi %mul3A_39, %add3A_53 : i32
      %dma_start3A_55 = arith.constant 0 : i32
      %dma_start3A_56 = tpu.memref_slice %arg3[%add3A_54, %dma_start3A_55] : memref<5120x64xi32, #tpu.memory_space<hbm>> -> memref<1x64xi32, #tpu.memory_space<hbm>>
      %dma_start3A_57 = tpu.memref_squeeze %dma_start3A_56 : memref<1x64xi32, #tpu.memory_space<hbm>> -> memref<64xi32, #tpu.memory_space<hbm>>
      %dma_start3A_58 = arith.constant 0 : i32
      %dma_start3A_59 = tpu.memref_slice %arg3[%add3A_54, %dma_start3A_58] : memref<5120x64xi32, #tpu.memory_space<hbm>> -> memref<1x64xi32, #tpu.memory_space<hbm>>
      %dma_start3A_60 = tpu.memref_squeeze %dma_start3A_59 : memref<1x64xi32, #tpu.memory_space<hbm>> -> memref<64xi32, #tpu.memory_space<hbm>>
      tpu.enqueue_dma source(%dma_start3A_60 : memref<64xi32, #tpu.memory_space<hbm>>) target(%arg10 : memref<64xi32, #tpu.memory_space<vmem>>) target_semaphore(%arg32 : memref<!tpu.dma_semaphore, #tpu.memory_space<semaphore_mem>>)
      %dma_start3A_61 = arith.constant 0 : i32
      %dma_start3A_62 = tpu.memref_slice %arg4[%add3A_54, %dma_start3A_61] : memref<5120x64xi32, #tpu.memory_space<hbm>> -> memref<1x64xi32, #tpu.memory_space<hbm>>
      %dma_start3A_63 = tpu.memref_squeeze %dma_start3A_62 : memref<1x64xi32, #tpu.memory_space<hbm>> -> memref<64xi32, #tpu.memory_space<hbm>>
      %dma_start3A_64 = arith.constant 0 : i32
      %dma_start3A_65 = tpu.memref_slice %arg4[%add3A_54, %dma_start3A_64] : memref<5120x64xi32, #tpu.memory_space<hbm>> -> memref<1x64xi32, #tpu.memory_space<hbm>>
      %dma_start3A_66 = tpu.memref_squeeze %dma_start3A_65 : memref<1x64xi32, #tpu.memory_space<hbm>> -> memref<64xi32, #tpu.memory_space<hbm>>
      tpu.enqueue_dma source(%dma_start3A_66 : memref<64xi32, #tpu.memory_space<hbm>>) target(%arg11 : memref<64xi32, #tpu.memory_space<vmem>>) target_semaphore(%arg32 : memref<!tpu.dma_semaphore, #tpu.memory_space<semaphore_mem>>)
      %add3A_67 = arith.constant 2 : i32
      %add3A_68 = arith.addi %mul3A_39, %add3A_67 : i32
      %dma_start3A_69 = arith.constant 0 : i32
      %dma_start3A_70 = tpu.memref_slice %arg3[%add3A_68, %dma_start3A_69] : memref<5120x64xi32, #tpu.memory_space<hbm>> -> memref<1x64xi32, #tpu.memory_space<hbm>>
      %dma_start3A_71 = tpu.memref_squeeze %dma_start3A_70 : memref<1x64xi32, #tpu.memory_space<hbm>> -> memref<64xi32, #tpu.memory_space<hbm>>
      %dma_start3A_72 = arith.constant 0 : i32
      %dma_start3A_73 = tpu.memref_slice %arg3[%add3A_68, %dma_start3A_72] : memref<5120x64xi32, #tpu.memory_space<hbm>> -> memref<1x64xi32, #tpu.memory_space<hbm>>
      %dma_start3A_74 = tpu.memref_squeeze %dma_start3A_73 : memref<1x64xi32, #tpu.memory_space<hbm>> -> memref<64xi32, #tpu.memory_space<hbm>>
      tpu.enqueue_dma source(%dma_start3A_74 : memref<64xi32, #tpu.memory_space<hbm>>) target(%arg12 : memref<64xi32, #tpu.memory_space<vmem>>) target_semaphore(%arg33 : memref<!tpu.dma_semaphore, #tpu.memory_space<semaphore_mem>>)
      %dma_start3A_75 = arith.constant 0 : i32
      %dma_start3A_76 = tpu.memref_slice %arg4[%add3A_68, %dma_start3A_75] : memref<5120x64xi32, #tpu.memory_space<hbm>> -> memref<1x64xi32, #tpu.memory_space<hbm>>
      %dma_start3A_77 = tpu.memref_squeeze %dma_start3A_76 : memref<1x64xi32, #tpu.memory_space<hbm>> -> memref<64xi32, #tpu.memory_space<hbm>>
      %dma_start3A_78 = arith.constant 0 : i32
      %dma_start3A_79 = tpu.memref_slice %arg4[%add3A_68, %dma_start3A_78] : memref<5120x64xi32, #tpu.memory_space<hbm>> -> memref<1x64xi32, #tpu.memory_space<hbm>>
      %dma_start3A_80 = tpu.memref_squeeze %dma_start3A_79 : memref<1x64xi32, #tpu.memory_space<hbm>> -> memref<64xi32, #tpu.memory_space<hbm>>
      tpu.enqueue_dma source(%dma_start3A_80 : memref<64xi32, #tpu.memory_space<hbm>>) target(%arg13 : memref<64xi32, #tpu.memory_space<vmem>>) target_semaphore(%arg33 : memref<!tpu.dma_semaphore, #tpu.memory_space<semaphore_mem>>)
      %add3A_81 = arith.constant 3 : i32
      %add3A_82 = arith.addi %mul3A_39, %add3A_81 : i32
      %dma_start3A_83 = arith.constant 0 : i32
      %dma_start3A_84 = tpu.memref_slice %arg3[%add3A_82, %dma_start3A_83] : memref<5120x64xi32, #tpu.memory_space<hbm>> -> memref<1x64xi32, #tpu.memory_space<hbm>>
      %dma_start3A_85 = tpu.memref_squeeze %dma_start3A_84 : memref<1x64xi32, #tpu.memory_space<hbm>> -> memref<64xi32, #tpu.memory_space<hbm>>
      %dma_start3A_86 = arith.constant 0 : i32
      %dma_start3A_87 = tpu.memref_slice %arg3[%add3A_82, %dma_start3A_86] : memref<5120x64xi32, #tpu.memory_space<hbm>> -> memref<1x64xi32, #tpu.memory_space<hbm>>
      %dma_start3A_88 = tpu.memref_squeeze %dma_start3A_87 : memref<1x64xi32, #tpu.memory_space<hbm>> -> memref<64xi32, #tpu.memory_space<hbm>>
      tpu.enqueue_dma source(%dma_start3A_88 : memref<64xi32, #tpu.memory_space<hbm>>) target(%arg14 : memref<64xi32, #tpu.memory_space<vmem>>) target_semaphore(%arg34 : memref<!tpu.dma_semaphore, #tpu.memory_space<semaphore_mem>>)
      %dma_start3A_89 = arith.constant 0 : i32
      %dma_start3A_90 = tpu.memref_slice %arg4[%add3A_82, %dma_start3A_89] : memref<5120x64xi32, #tpu.memory_space<hbm>> -> memref<1x64xi32, #tpu.memory_space<hbm>>
      %dma_start3A_91 = tpu.memref_squeeze %dma_start3A_90 : memref<1x64xi32, #tpu.memory_space<hbm>> -> memref<64xi32, #tpu.memory_space<hbm>>
      %dma_start3A_92 = arith.constant 0 : i32
      %dma_start3A_93 = tpu.memref_slice %arg4[%add3A_82, %dma_start3A_92] : memref<5120x64xi32, #tpu.memory_space<hbm>> -> memref<1x64xi32, #tpu.memory_space<hbm>>
      %dma_start3A_94 = tpu.memref_squeeze %dma_start3A_93 : memref<1x64xi32, #tpu.memory_space<hbm>> -> memref<64xi32, #tpu.memory_space<hbm>>
      tpu.enqueue_dma source(%dma_start3A_94 : memref<64xi32, #tpu.memory_space<hbm>>) target(%arg15 : memref<64xi32, #tpu.memory_space<vmem>>) target_semaphore(%arg34 : memref<!tpu.dma_semaphore, #tpu.memory_space<semaphore_mem>>)
      %scan3A_95 = arith.constant 0 : i32
      %scan3A_96 = arith.constant 0 : i32
      %scan3A_97 = arith.constant 61 : i32
      %scan3A_98 = arith.addi %scan3A_96, %scan3A_97 : i32
      %scan3A_99 = arith.constant 1 : i32
      %scan3A_100 = scf.for %scan3A_236 = %scan3A_96 to %scan3A_98 step %scan3A_99 iter_args(%scan3A_237 = %scan3A_95) -> (i32)  : i32 {
        %mul3A_238 = arith.constant 4 : i32
        %mul3A_239 = arith.muli %scan3A_236, %mul3A_238 : i32
        %add3A_240 = arith.addi %mul3A_39, %mul3A_239 : i32
        %dma_wait3A_241 = arith.constant 0 : i32
        %dma_wait3A_242 = arith.constant 0 : i32
        %dma_wait3A_243 = tpu.memref_slice %arg3[%dma_wait3A_241, %dma_wait3A_242] : memref<5120x64xi32, #tpu.memory_space<hbm>> -> memref<1x64xi32, #tpu.memory_space<hbm>>
        %dma_wait3A_244 = tpu.memref_squeeze %dma_wait3A_243 : memref<1x64xi32, #tpu.memory_space<hbm>> -> memref<64xi32, #tpu.memory_space<hbm>>
        %dma_wait3A_245 = arith.constant 0 : i32
        %dma_wait3A_246 = tpu.memref_slice %arg3[%dma_wait3A_241, %dma_wait3A_245] : memref<5120x64xi32, #tpu.memory_space<hbm>> -> memref<1x64xi32, #tpu.memory_space<hbm>>
        %dma_wait3A_247 = tpu.memref_squeeze %dma_wait3A_246 : memref<1x64xi32, #tpu.memory_space<hbm>> -> memref<64xi32, #tpu.memory_space<hbm>>
        tpu.wait_dma2 semaphore(%arg31 : memref<!tpu.dma_semaphore, #tpu.memory_space<semaphore_mem>>) src(%dma_wait3A_247 : memref<64xi32, #tpu.memory_space<hbm>>) dst(%arg8 : memref<64xi32, #tpu.memory_space<vmem>>)
        %dma_wait3A_248 = arith.constant 0 : i32
        %dma_wait3A_249 = arith.constant 0 : i32
        %dma_wait3A_250 = tpu.memref_slice %arg4[%dma_wait3A_248, %dma_wait3A_249] : memref<5120x64xi32, #tpu.memory_space<hbm>> -> memref<1x64xi32, #tpu.memory_space<hbm>>
        %dma_wait3A_251 = tpu.memref_squeeze %dma_wait3A_250 : memref<1x64xi32, #tpu.memory_space<hbm>> -> memref<64xi32, #tpu.memory_space<hbm>>
        %dma_wait3A_252 = arith.constant 0 : i32
        %dma_wait3A_253 = tpu.memref_slice %arg4[%dma_wait3A_248, %dma_wait3A_252] : memref<5120x64xi32, #tpu.memory_space<hbm>> -> memref<1x64xi32, #tpu.memory_space<hbm>>
        %dma_wait3A_254 = tpu.memref_squeeze %dma_wait3A_253 : memref<1x64xi32, #tpu.memory_space<hbm>> -> memref<64xi32, #tpu.memory_space<hbm>>
        tpu.wait_dma2 semaphore(%arg31 : memref<!tpu.dma_semaphore, #tpu.memory_space<semaphore_mem>>) src(%dma_wait3A_254 : memref<64xi32, #tpu.memory_space<hbm>>) dst(%arg9 : memref<64xi32, #tpu.memory_space<vmem>>)
        %dma_start3A_255 = arith.constant 0 : i32
        %dma_start3A_256 = arith.constant 0 : i32
        %dma_start3A_257 = tpu.memref_slice %arg2[%dma_start3A_255, %dma_start3A_256] : memref<10000x128xf32, #tpu.memory_space<hbm>> -> memref<10000x128xf32, #tpu.memory_space<hbm>>
        tpu.enqueue_indirect_dma source(%dma_start3A_257 : memref<10000x128xf32, #tpu.memory_space<hbm>>) target(%arg16 : memref<64x128xf32, #tpu.memory_space<vmem>>) offsets(%arg8 : memref<64xi32, #tpu.memory_space<vmem>>) semaphore(%arg23 : memref<!tpu.dma_semaphore, #tpu.memory_space<semaphore_mem>>)
        %dma_wait3A_258 = arith.constant 0 : i32
        %dma_wait3A_259 = arith.constant 0 : i32
        %dma_wait3A_260 = tpu.memref_slice %arg3[%dma_wait3A_258, %dma_wait3A_259] : memref<5120x64xi32, #tpu.memory_space<hbm>> -> memref<1x64xi32, #tpu.memory_space<hbm>>
        %dma_wait3A_261 = tpu.memref_squeeze %dma_wait3A_260 : memref<1x64xi32, #tpu.memory_space<hbm>> -> memref<64xi32, #tpu.memory_space<hbm>>
        %dma_wait3A_262 = arith.constant 0 : i32
        %dma_wait3A_263 = tpu.memref_slice %arg3[%dma_wait3A_258, %dma_wait3A_262] : memref<5120x64xi32, #tpu.memory_space<hbm>> -> memref<1x64xi32, #tpu.memory_space<hbm>>
        %dma_wait3A_264 = tpu.memref_squeeze %dma_wait3A_263 : memref<1x64xi32, #tpu.memory_space<hbm>> -> memref<64xi32, #tpu.memory_space<hbm>>
        tpu.wait_dma2 semaphore(%arg32 : memref<!tpu.dma_semaphore, #tpu.memory_space<semaphore_mem>>) src(%dma_wait3A_264 : memref<64xi32, #tpu.memory_space<hbm>>) dst(%arg10 : memref<64xi32, #tpu.memory_space<vmem>>)
        %dma_wait3A_265 = arith.constant 0 : i32
        %dma_wait3A_266 = arith.constant 0 : i32
        %dma_wait3A_267 = tpu.memref_slice %arg4[%dma_wait3A_265, %dma_wait3A_266] : memref<5120x64xi32, #tpu.memory_space<hbm>> -> memref<1x64xi32, #tpu.memory_space<hbm>>
        %dma_wait3A_268 = tpu.memref_squeeze %dma_wait3A_267 : memref<1x64xi32, #tpu.memory_space<hbm>> -> memref<64xi32, #tpu.memory_space<hbm>>
        %dma_wait3A_269 = arith.constant 0 : i32
        %dma_wait3A_270 = tpu.memref_slice %arg4[%dma_wait3A_265, %dma_wait3A_269] : memref<5120x64xi32, #tpu.memory_space<hbm>> -> memref<1x64xi32, #tpu.memory_space<hbm>>
        %dma_wait3A_271 = tpu.memref_squeeze %dma_wait3A_270 : memref<1x64xi32, #tpu.memory_space<hbm>> -> memref<64xi32, #tpu.memory_space<hbm>>
        tpu.wait_dma2 semaphore(%arg32 : memref<!tpu.dma_semaphore, #tpu.memory_space<semaphore_mem>>) src(%dma_wait3A_271 : memref<64xi32, #tpu.memory_space<hbm>>) dst(%arg11 : memref<64xi32, #tpu.memory_space<vmem>>)
        %dma_start3A_272 = arith.constant 0 : i32
        %dma_start3A_273 = arith.constant 0 : i32
        %dma_start3A_274 = tpu.memref_slice %arg2[%dma_start3A_272, %dma_start3A_273] : memref<10000x128xf32, #tpu.memory_space<hbm>> -> memref<10000x128xf32, #tpu.memory_space<hbm>>
        tpu.enqueue_indirect_dma source(%dma_start3A_274 : memref<10000x128xf32, #tpu.memory_space<hbm>>) target(%arg17 : memref<64x128xf32, #tpu.memory_space<vmem>>) offsets(%arg10 : memref<64xi32, #tpu.memory_space<vmem>>) semaphore(%arg24 : memref<!tpu.dma_semaphore, #tpu.memory_space<semaphore_mem>>)
        %dma_wait3A_275 = arith.constant 0 : i32
        %dma_wait3A_276 = arith.constant 0 : i32
        %dma_wait3A_277 = tpu.memref_slice %arg3[%dma_wait3A_275, %dma_wait3A_276] : memref<5120x64xi32, #tpu.memory_space<hbm>> -> memref<1x64xi32, #tpu.memory_space<hbm>>
        %dma_wait3A_278 = tpu.memref_squeeze %dma_wait3A_277 : memref<1x64xi32, #tpu.memory_space<hbm>> -> memref<64xi32, #tpu.memory_space<hbm>>
        %dma_wait3A_279 = arith.constant 0 : i32
        %dma_wait3A_280 = tpu.memref_slice %arg3[%dma_wait3A_275, %dma_wait3A_279] : memref<5120x64xi32, #tpu.memory_space<hbm>> -> memref<1x64xi32, #tpu.memory_space<hbm>>
        %dma_wait3A_281 = tpu.memref_squeeze %dma_wait3A_280 : memref<1x64xi32, #tpu.memory_space<hbm>> -> memref<64xi32, #tpu.memory_space<hbm>>
        tpu.wait_dma2 semaphore(%arg33 : memref<!tpu.dma_semaphore, #tpu.memory_space<semaphore_mem>>) src(%dma_wait3A_281 : memref<64xi32, #tpu.memory_space<hbm>>) dst(%arg12 : memref<64xi32, #tpu.memory_space<vmem>>)
        %dma_wait3A_282 = arith.constant 0 : i32
        %dma_wait3A_283 = arith.constant 0 : i32
        %dma_wait3A_284 = tpu.memref_slice %arg4[%dma_wait3A_282, %dma_wait3A_283] : memref<5120x64xi32, #tpu.memory_space<hbm>> -> memref<1x64xi32, #tpu.memory_space<hbm>>
        %dma_wait3A_285 = tpu.memref_squeeze %dma_wait3A_284 : memref<1x64xi32, #tpu.memory_space<hbm>> -> memref<64xi32, #tpu.memory_space<hbm>>
        %dma_wait3A_286 = arith.constant 0 : i32
        %dma_wait3A_287 = tpu.memref_slice %arg4[%dma_wait3A_282, %dma_wait3A_286] : memref<5120x64xi32, #tpu.memory_space<hbm>> -> memref<1x64xi32, #tpu.memory_space<hbm>>
        %dma_wait3A_288 = tpu.memref_squeeze %dma_wait3A_287 : memref<1x64xi32, #tpu.memory_space<hbm>> -> memref<64xi32, #tpu.memory_space<hbm>>
        tpu.wait_dma2 semaphore(%arg33 : memref<!tpu.dma_semaphore, #tpu.memory_space<semaphore_mem>>) src(%dma_wait3A_288 : memref<64xi32, #tpu.memory_space<hbm>>) dst(%arg13 : memref<64xi32, #tpu.memory_space<vmem>>)
        %dma_start3A_289 = arith.constant 0 : i32
        %dma_start3A_290 = arith.constant 0 : i32
        %dma_start3A_291 = tpu.memref_slice %arg2[%dma_start3A_289, %dma_start3A_290] : memref<10000x128xf32, #tpu.memory_space<hbm>> -> memref<10000x128xf32, #tpu.memory_space<hbm>>
        tpu.enqueue_indirect_dma source(%dma_start3A_291 : memref<10000x128xf32, #tpu.memory_space<hbm>>) target(%arg18 : memref<64x128xf32, #tpu.memory_space<vmem>>) offsets(%arg12 : memref<64xi32, #tpu.memory_space<vmem>>) semaphore(%arg25 : memref<!tpu.dma_semaphore, #tpu.memory_space<semaphore_mem>>)
        %dma_wait3A_292 = arith.constant 0 : i32
        %dma_wait3A_293 = arith.constant 0 : i32
        %dma_wait3A_294 = tpu.memref_slice %arg3[%dma_wait3A_292, %dma_wait3A_293] : memref<5120x64xi32, #tpu.memory_space<hbm>> -> memref<1x64xi32, #tpu.memory_space<hbm>>
        %dma_wait3A_295 = tpu.memref_squeeze %dma_wait3A_294 : memref<1x64xi32, #tpu.memory_space<hbm>> -> memref<64xi32, #tpu.memory_space<hbm>>
        %dma_wait3A_296 = arith.constant 0 : i32
        %dma_wait3A_297 = tpu.memref_slice %arg3[%dma_wait3A_292, %dma_wait3A_296] : memref<5120x64xi32, #tpu.memory_space<hbm>> -> memref<1x64xi32, #tpu.memory_space<hbm>>
        %dma_wait3A_298 = tpu.memref_squeeze %dma_wait3A_297 : memref<1x64xi32, #tpu.memory_space<hbm>> -> memref<64xi32, #tpu.memory_space<hbm>>
        tpu.wait_dma2 semaphore(%arg34 : memref<!tpu.dma_semaphore, #tpu.memory_space<semaphore_mem>>) src(%dma_wait3A_298 : memref<64xi32, #tpu.memory_space<hbm>>) dst(%arg14 : memref<64xi32, #tpu.memory_space<vmem>>)
        %dma_wait3A_299 = arith.constant 0 : i32
        %dma_wait3A_300 = arith.constant 0 : i32
        %dma_wait3A_301 = tpu.memref_slice %arg4[%dma_wait3A_299, %dma_wait3A_300] : memref<5120x64xi32, #tpu.memory_space<hbm>> -> memref<1x64xi32, #tpu.memory_space<hbm>>
        %dma_wait3A_302 = tpu.memref_squeeze %dma_wait3A_301 : memref<1x64xi32, #tpu.memory_space<hbm>> -> memref<64xi32, #tpu.memory_space<hbm>>
        %dma_wait3A_303 = arith.constant 0 : i32
        %dma_wait3A_304 = tpu.memref_slice %arg4[%dma_wait3A_299, %dma_wait3A_303] : memref<5120x64xi32, #tpu.memory_space<hbm>> -> memref<1x64xi32, #tpu.memory_space<hbm>>
        %dma_wait3A_305 = tpu.memref_squeeze %dma_wait3A_304 : memref<1x64xi32, #tpu.memory_space<hbm>> -> memref<64xi32, #tpu.memory_space<hbm>>
        tpu.wait_dma2 semaphore(%arg34 : memref<!tpu.dma_semaphore, #tpu.memory_space<semaphore_mem>>) src(%dma_wait3A_305 : memref<64xi32, #tpu.memory_space<hbm>>) dst(%arg15 : memref<64xi32, #tpu.memory_space<vmem>>)
        %dma_start3A_306 = arith.constant 0 : i32
        %dma_start3A_307 = arith.constant 0 : i32
        %dma_start3A_308 = tpu.memref_slice %arg2[%dma_start3A_306, %dma_start3A_307] : memref<10000x128xf32, #tpu.memory_space<hbm>> -> memref<10000x128xf32, #tpu.memory_space<hbm>>
        tpu.enqueue_indirect_dma source(%dma_start3A_308 : memref<10000x128xf32, #tpu.memory_space<hbm>>) target(%arg19 : memref<64x128xf32, #tpu.memory_space<vmem>>) offsets(%arg14 : memref<64xi32, #tpu.memory_space<vmem>>) semaphore(%arg26 : memref<!tpu.dma_semaphore, #tpu.memory_space<semaphore_mem>>)
        %dma_wait3A_309 = arith.constant 0 : i32
        %dma_wait3A_310 = arith.constant 0 : i32
        %dma_wait3A_311 = tpu.memref_slice %arg2[%dma_wait3A_309, %dma_wait3A_310] : memref<10000x128xf32, #tpu.memory_space<hbm>> -> memref<10000x128xf32, #tpu.memory_space<hbm>>
        tpu.wait_indirect_dma semaphore(%arg23 : memref<!tpu.dma_semaphore, #tpu.memory_space<semaphore_mem>>) src(%dma_wait3A_311 : memref<10000x128xf32, #tpu.memory_space<hbm>>) dst(%arg16 : memref<64x128xf32, #tpu.memory_space<vmem>>)
        %dma_start3A_312 = arith.constant 0 : i32
        %dma_start3A_313 = arith.constant 0 : i32
        %dma_start3A_314 = tpu.memref_slice %arg22[%dma_start3A_312, %dma_start3A_313] : memref<5120x128xf32, #tpu.memory_space<vmem_shared>> -> memref<5120x128xf32, #tpu.memory_space<vmem_shared>>
        tpu.enqueue_indirect_dma source(%arg16 : memref<64x128xf32, #tpu.memory_space<vmem>>) target(%dma_start3A_314 : memref<5120x128xf32, #tpu.memory_space<vmem_shared>>) offsets(%arg9 : memref<64xi32, #tpu.memory_space<vmem>>) semaphore(%arg27 : memref<!tpu.dma_semaphore, #tpu.memory_space<semaphore_mem>>) {add = true}
        %get3A_315 = arith.constant 0 : index
        %get3A_316 = tpu.vector_load %arg9[%get3A_315] {strides = array<i32>} : memref<64xi32, #tpu.memory_space<vmem>>, vector<16xi32>,
        tpu.vector_store_idx %arg20[%get3A_316], %broadcast_in_dim3A_29 {add = true} : memref<5120xf32, #tpu.memory_space<vmem>>[vector<16xi32>], vector<16xf32>,
        %get3A_317 = arith.constant 16 : index
        %get3A_318 = tpu.vector_load %arg9[%get3A_317] {strides = array<i32>} : memref<64xi32, #tpu.memory_space<vmem>>, vector<16xi32>,
        tpu.vector_store_idx %arg20[%get3A_318], %broadcast_in_dim3A_29 {add = true} : memref<5120xf32, #tpu.memory_space<vmem>>[vector<16xi32>], vector<16xf32>,
        %get3A_319 = arith.constant 32 : index
        %get3A_320 = tpu.vector_load %arg9[%get3A_319] {strides = array<i32>} : memref<64xi32, #tpu.memory_space<vmem>>, vector<16xi32>,
        tpu.vector_store_idx %arg20[%get3A_320], %broadcast_in_dim3A_29 {add = true} : memref<5120xf32, #tpu.memory_space<vmem>>[vector<16xi32>], vector<16xf32>,
        %get3A_321 = arith.constant 48 : index
        %get3A_322 = tpu.vector_load %arg9[%get3A_321] {strides = array<i32>} : memref<64xi32, #tpu.memory_space<vmem>>, vector<16xi32>,
        tpu.vector_store_idx %arg20[%get3A_322], %broadcast_in_dim3A_29 {add = true} : memref<5120xf32, #tpu.memory_space<vmem>>[vector<16xi32>], vector<16xf32>,
        %dma_wait3A_323 = arith.constant 0 : i32
        %dma_wait3A_324 = arith.constant 0 : i32
        %dma_wait3A_325 = tpu.memref_slice %arg2[%dma_wait3A_323, %dma_wait3A_324] : memref<10000x128xf32, #tpu.memory_space<hbm>> -> memref<10000x128xf32, #tpu.memory_space<hbm>>
        tpu.wait_indirect_dma semaphore(%arg24 : memref<!tpu.dma_semaphore, #tpu.memory_space<semaphore_mem>>) src(%dma_wait3A_325 : memref<10000x128xf32, #tpu.memory_space<hbm>>) dst(%arg17 : memref<64x128xf32, #tpu.memory_space<vmem>>)
        %dma_start3A_326 = arith.constant 0 : i32
        %dma_start3A_327 = arith.constant 0 : i32
        %dma_start3A_328 = tpu.memref_slice %arg22[%dma_start3A_326, %dma_start3A_327] : memref<5120x128xf32, #tpu.memory_space<vmem_shared>> -> memref<5120x128xf32, #tpu.memory_space<vmem_shared>>
        tpu.enqueue_indirect_dma source(%arg17 : memref<64x128xf32, #tpu.memory_space<vmem>>) target(%dma_start3A_328 : memref<5120x128xf32, #tpu.memory_space<vmem_shared>>) offsets(%arg11 : memref<64xi32, #tpu.memory_space<vmem>>) semaphore(%arg28 : memref<!tpu.dma_semaphore, #tpu.memory_space<semaphore_mem>>) {add = true}
        %get3A_329 = arith.constant 0 : index
        %get3A_330 = tpu.vector_load %arg11[%get3A_329] {strides = array<i32>} : memref<64xi32, #tpu.memory_space<vmem>>, vector<16xi32>,
        tpu.vector_store_idx %arg20[%get3A_330], %broadcast_in_dim3A_29 {add = true} : memref<5120xf32, #tpu.memory_space<vmem>>[vector<16xi32>], vector<16xf32>,
        %get3A_331 = arith.constant 16 : index
        %get3A_332 = tpu.vector_load %arg11[%get3A_331] {strides = array<i32>} : memref<64xi32, #tpu.memory_space<vmem>>, vector<16xi32>,
        tpu.vector_store_idx %arg20[%get3A_332], %broadcast_in_dim3A_29 {add = true} : memref<5120xf32, #tpu.memory_space<vmem>>[vector<16xi32>], vector<16xf32>,
        %get3A_333 = arith.constant 32 : index
        %get3A_334 = tpu.vector_load %arg11[%get3A_333] {strides = array<i32>} : memref<64xi32, #tpu.memory_space<vmem>>, vector<16xi32>,
        tpu.vector_store_idx %arg20[%get3A_334], %broadcast_in_dim3A_29 {add = true} : memref<5120xf32, #tpu.memory_space<vmem>>[vector<16xi32>], vector<16xf32>,
        %get3A_335 = arith.constant 48 : index
        %get3A_336 = tpu.vector_load %arg11[%get3A_335] {strides = array<i32>} : memref<64xi32, #tpu.memory_space<vmem>>, vector<16xi32>,
        tpu.vector_store_idx %arg20[%get3A_336], %broadcast_in_dim3A_29 {add = true} : memref<5120xf32, #tpu.memory_space<vmem>>[vector<16xi32>], vector<16xf32>,
        %dma_wait3A_337 = arith.constant 0 : i32
        %dma_wait3A_338 = arith.constant 0 : i32
        %dma_wait3A_339 = tpu.memref_slice %arg2[%dma_wait3A_337, %dma_wait3A_338] : memref<10000x128xf32, #tpu.memory_space<hbm>> -> memref<10000x128xf32, #tpu.memory_space<hbm>>
        tpu.wait_indirect_dma semaphore(%arg25 : memref<!tpu.dma_semaphore, #tpu.memory_space<semaphore_mem>>) src(%dma_wait3A_339 : memref<10000x128xf32, #tpu.memory_space<hbm>>) dst(%arg18 : memref<64x128xf32, #tpu.memory_space<vmem>>)
        %dma_start3A_340 = arith.constant 0 : i32
        %dma_start3A_341 = arith.constant 0 : i32
        %dma_start3A_342 = tpu.memref_slice %arg22[%dma_start3A_340, %dma_start3A_341] : memref<5120x128xf32, #tpu.memory_space<vmem_shared>> -> memref<5120x128xf32, #tpu.memory_space<vmem_shared>>
        tpu.enqueue_indirect_dma source(%arg18 : memref<64x128xf32, #tpu.memory_space<vmem>>) target(%dma_start3A_342 : memref<5120x128xf32, #tpu.memory_space<vmem_shared>>) offsets(%arg13 : memref<64xi32, #tpu.memory_space<vmem>>) semaphore(%arg29 : memref<!tpu.dma_semaphore, #tpu.memory_space<semaphore_mem>>) {add = true}
        %get3A_343 = arith.constant 0 : index
        %get3A_344 = tpu.vector_load %arg13[%get3A_343] {strides = array<i32>} : memref<64xi32, #tpu.memory_space<vmem>>, vector<16xi32>,
        tpu.vector_store_idx %arg20[%get3A_344], %broadcast_in_dim3A_29 {add = true} : memref<5120xf32, #tpu.memory_space<vmem>>[vector<16xi32>], vector<16xf32>,
        %get3A_345 = arith.constant 16 : index
        %get3A_346 = tpu.vector_load %arg13[%get3A_345] {strides = array<i32>} : memref<64xi32, #tpu.memory_space<vmem>>, vector<16xi32>,
        tpu.vector_store_idx %arg20[%get3A_346], %broadcast_in_dim3A_29 {add = true} : memref<5120xf32, #tpu.memory_space<vmem>>[vector<16xi32>], vector<16xf32>,
        %get3A_347 = arith.constant 32 : index
        %get3A_348 = tpu.vector_load %arg13[%get3A_347] {strides = array<i32>} : memref<64xi32, #tpu.memory_space<vmem>>, vector<16xi32>,
        tpu.vector_store_idx %arg20[%get3A_348], %broadcast_in_dim3A_29 {add = true} : memref<5120xf32, #tpu.memory_space<vmem>>[vector<16xi32>], vector<16xf32>,
        %get3A_349 = arith.constant 48 : index
        %get3A_350 = tpu.vector_load %arg13[%get3A_349] {strides = array<i32>} : memref<64xi32, #tpu.memory_space<vmem>>, vector<16xi32>,
        tpu.vector_store_idx %arg20[%get3A_350], %broadcast_in_dim3A_29 {add = true} : memref<5120xf32, #tpu.memory_space<vmem>>[vector<16xi32>], vector<16xf32>,
        %dma_wait3A_351 = arith.constant 0 : i32
        %dma_wait3A_352 = arith.constant 0 : i32
        %dma_wait3A_353 = tpu.memref_slice %arg2[%dma_wait3A_351, %dma_wait3A_352] : memref<10000x128xf32, #tpu.memory_space<hbm>> -> memref<10000x128xf32, #tpu.memory_space<hbm>>
        tpu.wait_indirect_dma semaphore(%arg26 : memref<!tpu.dma_semaphore, #tpu.memory_space<semaphore_mem>>) src(%dma_wait3A_353 : memref<10000x128xf32, #tpu.memory_space<hbm>>) dst(%arg19 : memref<64x128xf32, #tpu.memory_space<vmem>>)
        %dma_start3A_354 = arith.constant 0 : i32
        %dma_start3A_355 = arith.constant 0 : i32
        %dma_start3A_356 = tpu.memref_slice %arg22[%dma_start3A_354, %dma_start3A_355] : memref<5120x128xf32, #tpu.memory_space<vmem_shared>> -> memref<5120x128xf32, #tpu.memory_space<vmem_shared>>
        tpu.enqueue_indirect_dma source(%arg19 : memref<64x128xf32, #tpu.memory_space<vmem>>) target(%dma_start3A_356 : memref<5120x128xf32, #tpu.memory_space<vmem_shared>>) offsets(%arg15 : memref<64xi32, #tpu.memory_space<vmem>>) semaphore(%arg30 : memref<!tpu.dma_semaphore, #tpu.memory_space<semaphore_mem>>) {add = true}
        %get3A_357 = arith.constant 0 : index
        %get3A_358 = tpu.vector_load %arg15[%get3A_357] {strides = array<i32>} : memref<64xi32, #tpu.memory_space<vmem>>, vector<16xi32>,
        tpu.vector_store_idx %arg20[%get3A_358], %broadcast_in_dim3A_29 {add = true} : memref<5120xf32, #tpu.memory_space<vmem>>[vector<16xi32>], vector<16xf32>,
        %get3A_359 = arith.constant 16 : index
        %get3A_360 = tpu.vector_load %arg15[%get3A_359] {strides = array<i32>} : memref<64xi32, #tpu.memory_space<vmem>>, vector<16xi32>,
        tpu.vector_store_idx %arg20[%get3A_360], %broadcast_in_dim3A_29 {add = true} : memref<5120xf32, #tpu.memory_space<vmem>>[vector<16xi32>], vector<16xf32>,
        %get3A_361 = arith.constant 32 : index
        %get3A_362 = tpu.vector_load %arg15[%get3A_361] {strides = array<i32>} : memref<64xi32, #tpu.memory_space<vmem>>, vector<16xi32>,
        tpu.vector_store_idx %arg20[%get3A_362], %broadcast_in_dim3A_29 {add = true} : memref<5120xf32, #tpu.memory_space<vmem>>[vector<16xi32>], vector<16xf32>,
        %get3A_363 = arith.constant 48 : index
        %get3A_364 = tpu.vector_load %arg15[%get3A_363] {strides = array<i32>} : memref<64xi32, #tpu.memory_space<vmem>>, vector<16xi32>,
        tpu.vector_store_idx %arg20[%get3A_364], %broadcast_in_dim3A_29 {add = true} : memref<5120xf32, #tpu.memory_space<vmem>>[vector<16xi32>], vector<16xf32>,
        %dma_wait3A_365 = arith.constant 0 : i32
        %dma_wait3A_366 = arith.constant 0 : i32
        %dma_wait3A_367 = tpu.memref_slice %arg22[%dma_wait3A_365, %dma_wait3A_366] : memref<5120x128xf32, #tpu.memory_space<vmem_shared>> -> memref<5120x128xf32, #tpu.memory_space<vmem_shared>>
        tpu.wait_indirect_dma semaphore(%arg27 : memref<!tpu.dma_semaphore, #tpu.memory_space<semaphore_mem>>) src(%arg16 : memref<64x128xf32, #tpu.memory_space<vmem>>) dst(%dma_wait3A_367 : memref<5120x128xf32, #tpu.memory_space<vmem_shared>>)
        %add3A_368 = arith.constant 4 : i32
        %add3A_369 = arith.addi %add3A_240, %add3A_368 : i32
        %add3A_370 = arith.constant 0 : i32
        %add3A_371 = arith.addi %add3A_369, %add3A_370 : i32
        %dma_start3A_372 = arith.constant 0 : i32
        %dma_start3A_373 = tpu.memref_slice %arg3[%add3A_371, %dma_start3A_372] : memref<5120x64xi32, #tpu.memory_space<hbm>> -> memref<1x64xi32, #tpu.memory_space<hbm>>
        %dma_start3A_374 = tpu.memref_squeeze %dma_start3A_373 : memref<1x64xi32, #tpu.memory_space<hbm>> -> memref<64xi32, #tpu.memory_space<hbm>>
        %dma_start3A_375 = arith.constant 0 : i32
        %dma_start3A_376 = tpu.memref_slice %arg3[%add3A_371, %dma_start3A_375] : memref<5120x64xi32, #tpu.memory_space<hbm>> -> memref<1x64xi32, #tpu.memory_space<hbm>>
        %dma_start3A_377 = tpu.memref_squeeze %dma_start3A_376 : memref<1x64xi32, #tpu.memory_space<hbm>> -> memref<64xi32, #tpu.memory_space<hbm>>
        tpu.enqueue_dma source(%dma_start3A_377 : memref<64xi32, #tpu.memory_space<hbm>>) target(%arg8 : memref<64xi32, #tpu.memory_space<vmem>>) target_semaphore(%arg31 : memref<!tpu.dma_semaphore, #tpu.memory_space<semaphore_mem>>)
        %dma_start3A_378 = arith.constant 0 : i32
        %dma_start3A_379 = tpu.memref_slice %arg4[%add3A_371, %dma_start3A_378] : memref<5120x64xi32, #tpu.memory_space<hbm>> -> memref<1x64xi32, #tpu.memory_space<hbm>>
        %dma_start3A_380 = tpu.memref_squeeze %dma_start3A_379 : memref<1x64xi32, #tpu.memory_space<hbm>> -> memref<64xi32, #tpu.memory_space<hbm>>
        %dma_start3A_381 = arith.constant 0 : i32
        %dma_start3A_382 = tpu.memref_slice %arg4[%add3A_371, %dma_start3A_381] : memref<5120x64xi32, #tpu.memory_space<hbm>> -> memref<1x64xi32, #tpu.memory_space<hbm>>
        %dma_start3A_383 = tpu.memref_squeeze %dma_start3A_382 : memref<1x64xi32, #tpu.memory_space<hbm>> -> memref<64xi32, #tpu.memory_space<hbm>>
        tpu.enqueue_dma source(%dma_start3A_383 : memref<64xi32, #tpu.memory_space<hbm>>) target(%arg9 : memref<64xi32, #tpu.memory_space<vmem>>) target_semaphore(%arg31 : memref<!tpu.dma_semaphore, #tpu.memory_space<semaphore_mem>>)
        %dma_wait3A_384 = arith.constant 0 : i32
        %dma_wait3A_385 = arith.constant 0 : i32
        %dma_wait3A_386 = tpu.memref_slice %arg22[%dma_wait3A_384, %dma_wait3A_385] : memref<5120x128xf32, #tpu.memory_space<vmem_shared>> -> memref<5120x128xf32, #tpu.memory_space<vmem_shared>>
        tpu.wait_indirect_dma semaphore(%arg28 : memref<!tpu.dma_semaphore, #tpu.memory_space<semaphore_mem>>) src(%arg17 : memref<64x128xf32, #tpu.memory_space<vmem>>) dst(%dma_wait3A_386 : memref<5120x128xf32, #tpu.memory_space<vmem_shared>>)
        %add3A_387 = arith.constant 4 : i32
        %add3A_388 = arith.addi %add3A_240, %add3A_387 : i32
        %add3A_389 = arith.constant 1 : i32
        %add3A_390 = arith.addi %add3A_388, %add3A_389 : i32
        %dma_start3A_391 = arith.constant 0 : i32
        %dma_start3A_392 = tpu.memref_slice %arg3[%add3A_390, %dma_start3A_391] : memref<5120x64xi32, #tpu.memory_space<hbm>> -> memref<1x64xi32, #tpu.memory_space<hbm>>
        %dma_start3A_393 = tpu.memref_squeeze %dma_start3A_392 : memref<1x64xi32, #tpu.memory_space<hbm>> -> memref<64xi32, #tpu.memory_space<hbm>>
        %dma_start3A_394 = arith.constant 0 : i32
        %dma_start3A_395 = tpu.memref_slice %arg3[%add3A_390, %dma_start3A_394] : memref<5120x64xi32, #tpu.memory_space<hbm>> -> memref<1x64xi32, #tpu.memory_space<hbm>>
        %dma_start3A_396 = tpu.memref_squeeze %dma_start3A_395 : memref<1x64xi32, #tpu.memory_space<hbm>> -> memref<64xi32, #tpu.memory_space<hbm>>
        tpu.enqueue_dma source(%dma_start3A_396 : memref<64xi32, #tpu.memory_space<hbm>>) target(%arg10 : memref<64xi32, #tpu.memory_space<vmem>>) target_semaphore(%arg32 : memref<!tpu.dma_semaphore, #tpu.memory_space<semaphore_mem>>)
        %dma_start3A_397 = arith.constant 0 : i32
        %dma_start3A_398 = tpu.memref_slice %arg4[%add3A_390, %dma_start3A_397] : memref<5120x64xi32, #tpu.memory_space<hbm>> -> memref<1x64xi32, #tpu.memory_space<hbm>>
        %dma_start3A_399 = tpu.memref_squeeze %dma_start3A_398 : memref<1x64xi32, #tpu.memory_space<hbm>> -> memref<64xi32, #tpu.memory_space<hbm>>
        %dma_start3A_400 = arith.constant 0 : i32
        %dma_start3A_401 = tpu.memref_slice %arg4[%add3A_390, %dma_start3A_400] : memref<5120x64xi32, #tpu.memory_space<hbm>> -> memref<1x64xi32, #tpu.memory_space<hbm>>
        %dma_start3A_402 = tpu.memref_squeeze %dma_start3A_401 : memref<1x64xi32, #tpu.memory_space<hbm>> -> memref<64xi32, #tpu.memory_space<hbm>>
        tpu.enqueue_dma source(%dma_start3A_402 : memref<64xi32, #tpu.memory_space<hbm>>) target(%arg11 : memref<64xi32, #tpu.memory_space<vmem>>) target_semaphore(%arg32 : memref<!tpu.dma_semaphore, #tpu.memory_space<semaphore_mem>>)
        %dma_wait3A_403 = arith.constant 0 : i32
        %dma_wait3A_404 = arith.constant 0 : i32
        %dma_wait3A_405 = tpu.memref_slice %arg22[%dma_wait3A_403, %dma_wait3A_404] : memref<5120x128xf32, #tpu.memory_space<vmem_shared>> -> memref<5120x128xf32, #tpu.memory_space<vmem_shared>>
        tpu.wait_indirect_dma semaphore(%arg29 : memref<!tpu.dma_semaphore, #tpu.memory_space<semaphore_mem>>) src(%arg18 : memref<64x128xf32, #tpu.memory_space<vmem>>) dst(%dma_wait3A_405 : memref<5120x128xf32, #tpu.memory_space<vmem_shared>>)
        %add3A_406 = arith.constant 4 : i32
        %add3A_407 = arith.addi %add3A_240, %add3A_406 : i32
        %add3A_408 = arith.constant 2 : i32
        %add3A_409 = arith.addi %add3A_407, %add3A_408 : i32
        %dma_start3A_410 = arith.constant 0 : i32
        %dma_start3A_411 = tpu.memref_slice %arg3[%add3A_409, %dma_start3A_410] : memref<5120x64xi32, #tpu.memory_space<hbm>> -> memref<1x64xi32, #tpu.memory_space<hbm>>
        %dma_start3A_412 = tpu.memref_squeeze %dma_start3A_411 : memref<1x64xi32, #tpu.memory_space<hbm>> -> memref<64xi32, #tpu.memory_space<hbm>>
        %dma_start3A_413 = arith.constant 0 : i32
        %dma_start3A_414 = tpu.memref_slice %arg3[%add3A_409, %dma_start3A_413] : memref<5120x64xi32, #tpu.memory_space<hbm>> -> memref<1x64xi32, #tpu.memory_space<hbm>>
        %dma_start3A_415 = tpu.memref_squeeze %dma_start3A_414 : memref<1x64xi32, #tpu.memory_space<hbm>> -> memref<64xi32, #tpu.memory_space<hbm>>
        tpu.enqueue_dma source(%dma_start3A_415 : memref<64xi32, #tpu.memory_space<hbm>>) target(%arg12 : memref<64xi32, #tpu.memory_space<vmem>>) target_semaphore(%arg33 : memref<!tpu.dma_semaphore, #tpu.memory_space<semaphore_mem>>)
        %dma_start3A_416 = arith.constant 0 : i32
        %dma_start3A_417 = tpu.memref_slice %arg4[%add3A_409, %dma_start3A_416] : memref<5120x64xi32, #tpu.memory_space<hbm>> -> memref<1x64xi32, #tpu.memory_space<hbm>>
        %dma_start3A_418 = tpu.memref_squeeze %dma_start3A_417 : memref<1x64xi32, #tpu.memory_space<hbm>> -> memref<64xi32, #tpu.memory_space<hbm>>
        %dma_start3A_419 = arith.constant 0 : i32
        %dma_start3A_420 = tpu.memref_slice %arg4[%add3A_409, %dma_start3A_419] : memref<5120x64xi32, #tpu.memory_space<hbm>> -> memref<1x64xi32, #tpu.memory_space<hbm>>
        %dma_start3A_421 = tpu.memref_squeeze %dma_start3A_420 : memref<1x64xi32, #tpu.memory_space<hbm>> -> memref<64xi32, #tpu.memory_space<hbm>>
        tpu.enqueue_dma source(%dma_start3A_421 : memref<64xi32, #tpu.memory_space<hbm>>) target(%arg13 : memref<64xi32, #tpu.memory_space<vmem>>) target_semaphore(%arg33 : memref<!tpu.dma_semaphore, #tpu.memory_space<semaphore_mem>>)
        %dma_wait3A_422 = arith.constant 0 : i32
        %dma_wait3A_423 = arith.constant 0 : i32
        %dma_wait3A_424 = tpu.memref_slice %arg22[%dma_wait3A_422, %dma_wait3A_423] : memref<5120x128xf32, #tpu.memory_space<vmem_shared>> -> memref<5120x128xf32, #tpu.memory_space<vmem_shared>>
        tpu.wait_indirect_dma semaphore(%arg30 : memref<!tpu.dma_semaphore, #tpu.memory_space<semaphore_mem>>) src(%arg19 : memref<64x128xf32, #tpu.memory_space<vmem>>) dst(%dma_wait3A_424 : memref<5120x128xf32, #tpu.memory_space<vmem_shared>>)
        %add3A_425 = arith.constant 4 : i32
        %add3A_426 = arith.addi %add3A_240, %add3A_425 : i32
        %add3A_427 = arith.constant 3 : i32
        %add3A_428 = arith.addi %add3A_426, %add3A_427 : i32
        %dma_start3A_429 = arith.constant 0 : i32
        %dma_start3A_430 = tpu.memref_slice %arg3[%add3A_428, %dma_start3A_429] : memref<5120x64xi32, #tpu.memory_space<hbm>> -> memref<1x64xi32, #tpu.memory_space<hbm>>
        %dma_start3A_431 = tpu.memref_squeeze %dma_start3A_430 : memref<1x64xi32, #tpu.memory_space<hbm>> -> memref<64xi32, #tpu.memory_space<hbm>>
        %dma_start3A_432 = arith.constant 0 : i32
        %dma_start3A_433 = tpu.memref_slice %arg3[%add3A_428, %dma_start3A_432] : memref<5120x64xi32, #tpu.memory_space<hbm>> -> memref<1x64xi32, #tpu.memory_space<hbm>>
        %dma_start3A_434 = tpu.memref_squeeze %dma_start3A_433 : memref<1x64xi32, #tpu.memory_space<hbm>> -> memref<64xi32, #tpu.memory_space<hbm>>
        tpu.enqueue_dma source(%dma_start3A_434 : memref<64xi32, #tpu.memory_space<hbm>>) target(%arg14 : memref<64xi32, #tpu.memory_space<vmem>>) target_semaphore(%arg34 : memref<!tpu.dma_semaphore, #tpu.memory_space<semaphore_mem>>)
        %dma_start3A_435 = arith.constant 0 : i32
        %dma_start3A_436 = tpu.memref_slice %arg4[%add3A_428, %dma_start3A_435] : memref<5120x64xi32, #tpu.memory_space<hbm>> -> memref<1x64xi32, #tpu.memory_space<hbm>>
        %dma_start3A_437 = tpu.memref_squeeze %dma_start3A_436 : memref<1x64xi32, #tpu.memory_space<hbm>> -> memref<64xi32, #tpu.memory_space<hbm>>
        %dma_start3A_438 = arith.constant 0 : i32
        %dma_start3A_439 = tpu.memref_slice %arg4[%add3A_428, %dma_start3A_438] : memref<5120x64xi32, #tpu.memory_space<hbm>> -> memref<1x64xi32, #tpu.memory_space<hbm>>
        %dma_start3A_440 = tpu.memref_squeeze %dma_start3A_439 : memref<1x64xi32, #tpu.memory_space<hbm>> -> memref<64xi32, #tpu.memory_space<hbm>>
        tpu.enqueue_dma source(%dma_start3A_440 : memref<64xi32, #tpu.memory_space<hbm>>) target(%arg15 : memref<64xi32, #tpu.memory_space<vmem>>) target_semaphore(%arg34 : memref<!tpu.dma_semaphore, #tpu.memory_space<semaphore_mem>>)
        %scan3A_441 = arith.constant 0 : i32
        scf.yield %scan3A_441 : i32
      }
      %scan3A_101 = arith.constant 61 : i32
      %dma_wait3A = arith.constant 0 : i32
      %dma_wait3A_102 = arith.constant 0 : i32
      %dma_wait3A_103 = tpu.memref_slice %arg3[%dma_wait3A, %dma_wait3A_102] : memref<5120x64xi32, #tpu.memory_space<hbm>> -> memref<1x64xi32, #tpu.memory_space<hbm>>
      %dma_wait3A_104 = tpu.memref_squeeze %dma_wait3A_103 : memref<1x64xi32, #tpu.memory_space<hbm>> -> memref<64xi32, #tpu.memory_space<hbm>>
      %dma_wait3A_105 = arith.constant 0 : i32
      %dma_wait3A_106 = tpu.memref_slice %arg3[%dma_wait3A, %dma_wait3A_105] : memref<5120x64xi32, #tpu.memory_space<hbm>> -> memref<1x64xi32, #tpu.memory_space<hbm>>
      %dma_wait3A_107 = tpu.memref_squeeze %dma_wait3A_106 : memref<1x64xi32, #tpu.memory_space<hbm>> -> memref<64xi32, #tpu.memory_space<hbm>>
      tpu.wait_dma2 semaphore(%arg31 : memref<!tpu.dma_semaphore, #tpu.memory_space<semaphore_mem>>) src(%dma_wait3A_107 : memref<64xi32, #tpu.memory_space<hbm>>) dst(%arg8 : memref<64xi32, #tpu.memory_space<vmem>>)
      %dma_wait3A_108 = arith.constant 0 : i32
      %dma_wait3A_109 = arith.constant 0 : i32
      %dma_wait3A_110 = tpu.memref_slice %arg4[%dma_wait3A_108, %dma_wait3A_109] : memref<5120x64xi32, #tpu.memory_space<hbm>> -> memref<1x64xi32, #tpu.memory_space<hbm>>
      %dma_wait3A_111 = tpu.memref_squeeze %dma_wait3A_110 : memref<1x64xi32, #tpu.memory_space<hbm>> -> memref<64xi32, #tpu.memory_space<hbm>>
      %dma_wait3A_112 = arith.constant 0 : i32
      %dma_wait3A_113 = tpu.memref_slice %arg4[%dma_wait3A_108, %dma_wait3A_112] : memref<5120x64xi32, #tpu.memory_space<hbm>> -> memref<1x64xi32, #tpu.memory_space<hbm>>
      %dma_wait3A_114 = tpu.memref_squeeze %dma_wait3A_113 : memref<1x64xi32, #tpu.memory_space<hbm>> -> memref<64xi32, #tpu.memory_space<hbm>>
      tpu.wait_dma2 semaphore(%arg31 : memref<!tpu.dma_semaphore, #tpu.memory_space<semaphore_mem>>) src(%dma_wait3A_114 : memref<64xi32, #tpu.memory_space<hbm>>) dst(%arg9 : memref<64xi32, #tpu.memory_space<vmem>>)
      %dma_start3A_115 = arith.constant 0 : i32
      %dma_start3A_116 = arith.constant 0 : i32
      %dma_start3A_117 = tpu.memref_slice %arg2[%dma_start3A_115, %dma_start3A_116] : memref<10000x128xf32, #tpu.memory_space<hbm>> -> memref<10000x128xf32, #tpu.memory_space<hbm>>
      tpu.enqueue_indirect_dma source(%dma_start3A_117 : memref<10000x128xf32, #tpu.memory_space<hbm>>) target(%arg16 : memref<64x128xf32, #tpu.memory_space<vmem>>) offsets(%arg8 : memref<64xi32, #tpu.memory_space<vmem>>) semaphore(%arg23 : memref<!tpu.dma_semaphore, #tpu.memory_space<semaphore_mem>>)
      %dma_wait3A_118 = arith.constant 0 : i32
      %dma_wait3A_119 = arith.constant 0 : i32
      %dma_wait3A_120 = tpu.memref_slice %arg3[%dma_wait3A_118, %dma_wait3A_119] : memref<5120x64xi32, #tpu.memory_space<hbm>> -> memref<1x64xi32, #tpu.memory_space<hbm>>
      %dma_wait3A_121 = tpu.memref_squeeze %dma_wait3A_120 : memref<1x64xi32, #tpu.memory_space<hbm>> -> memref<64xi32, #tpu.memory_space<hbm>>
      %dma_wait3A_122 = arith.constant 0 : i32
      %dma_wait3A_123 = tpu.memref_slice %arg3[%dma_wait3A_118, %dma_wait3A_122] : memref<5120x64xi32, #tpu.memory_space<hbm>> -> memref<1x64xi32, #tpu.memory_space<hbm>>
      %dma_wait3A_124 = tpu.memref_squeeze %dma_wait3A_123 : memref<1x64xi32, #tpu.memory_space<hbm>> -> memref<64xi32, #tpu.memory_space<hbm>>
      tpu.wait_dma2 semaphore(%arg32 : memref<!tpu.dma_semaphore, #tpu.memory_space<semaphore_mem>>) src(%dma_wait3A_124 : memref<64xi32, #tpu.memory_space<hbm>>) dst(%arg10 : memref<64xi32, #tpu.memory_space<vmem>>)
      %dma_wait3A_125 = arith.constant 0 : i32
      %dma_wait3A_126 = arith.constant 0 : i32
      %dma_wait3A_127 = tpu.memref_slice %arg4[%dma_wait3A_125, %dma_wait3A_126] : memref<5120x64xi32, #tpu.memory_space<hbm>> -> memref<1x64xi32, #tpu.memory_space<hbm>>
      %dma_wait3A_128 = tpu.memref_squeeze %dma_wait3A_127 : memref<1x64xi32, #tpu.memory_space<hbm>> -> memref<64xi32, #tpu.memory_space<hbm>>
      %dma_wait3A_129 = arith.constant 0 : i32
      %dma_wait3A_130 = tpu.memref_slice %arg4[%dma_wait3A_125, %dma_wait3A_129] : memref<5120x64xi32, #tpu.memory_space<hbm>> -> memref<1x64xi32, #tpu.memory_space<hbm>>
      %dma_wait3A_131 = tpu.memref_squeeze %dma_wait3A_130 : memref<1x64xi32, #tpu.memory_space<hbm>> -> memref<64xi32, #tpu.memory_space<hbm>>
      tpu.wait_dma2 semaphore(%arg32 : memref<!tpu.dma_semaphore, #tpu.memory_space<semaphore_mem>>) src(%dma_wait3A_131 : memref<64xi32, #tpu.memory_space<hbm>>) dst(%arg11 : memref<64xi32, #tpu.memory_space<vmem>>)
      %dma_start3A_132 = arith.constant 0 : i32
      %dma_start3A_133 = arith.constant 0 : i32
      %dma_start3A_134 = tpu.memref_slice %arg2[%dma_start3A_132, %dma_start3A_133] : memref<10000x128xf32, #tpu.memory_space<hbm>> -> memref<10000x128xf32, #tpu.memory_space<hbm>>
      tpu.enqueue_indirect_dma source(%dma_start3A_134 : memref<10000x128xf32, #tpu.memory_space<hbm>>) target(%arg17 : memref<64x128xf32, #tpu.memory_space<vmem>>) offsets(%arg10 : memref<64xi32, #tpu.memory_space<vmem>>) semaphore(%arg24 : memref<!tpu.dma_semaphore, #tpu.memory_space<semaphore_mem>>)
      %dma_wait3A_135 = arith.constant 0 : i32
      %dma_wait3A_136 = arith.constant 0 : i32
      %dma_wait3A_137 = tpu.memref_slice %arg3[%dma_wait3A_135, %dma_wait3A_136] : memref<5120x64xi32, #tpu.memory_space<hbm>> -> memref<1x64xi32, #tpu.memory_space<hbm>>
      %dma_wait3A_138 = tpu.memref_squeeze %dma_wait3A_137 : memref<1x64xi32, #tpu.memory_space<hbm>> -> memref<64xi32, #tpu.memory_space<hbm>>
      %dma_wait3A_139 = arith.constant 0 : i32
      %dma_wait3A_140 = tpu.memref_slice %arg3[%dma_wait3A_135, %dma_wait3A_139] : memref<5120x64xi32, #tpu.memory_space<hbm>> -> memref<1x64xi32, #tpu.memory_space<hbm>>
      %dma_wait3A_141 = tpu.memref_squeeze %dma_wait3A_140 : memref<1x64xi32, #tpu.memory_space<hbm>> -> memref<64xi32, #tpu.memory_space<hbm>>
      tpu.wait_dma2 semaphore(%arg33 : memref<!tpu.dma_semaphore, #tpu.memory_space<semaphore_mem>>) src(%dma_wait3A_141 : memref<64xi32, #tpu.memory_space<hbm>>) dst(%arg12 : memref<64xi32, #tpu.memory_space<vmem>>)
      %dma_wait3A_142 = arith.constant 0 : i32
      %dma_wait3A_143 = arith.constant 0 : i32
      %dma_wait3A_144 = tpu.memref_slice %arg4[%dma_wait3A_142, %dma_wait3A_143] : memref<5120x64xi32, #tpu.memory_space<hbm>> -> memref<1x64xi32, #tpu.memory_space<hbm>>
      %dma_wait3A_145 = tpu.memref_squeeze %dma_wait3A_144 : memref<1x64xi32, #tpu.memory_space<hbm>> -> memref<64xi32, #tpu.memory_space<hbm>>
      %dma_wait3A_146 = arith.constant 0 : i32
      %dma_wait3A_147 = tpu.memref_slice %arg4[%dma_wait3A_142, %dma_wait3A_146] : memref<5120x64xi32, #tpu.memory_space<hbm>> -> memref<1x64xi32, #tpu.memory_space<hbm>>
      %dma_wait3A_148 = tpu.memref_squeeze %dma_wait3A_147 : memref<1x64xi32, #tpu.memory_space<hbm>> -> memref<64xi32, #tpu.memory_space<hbm>>
      tpu.wait_dma2 semaphore(%arg33 : memref<!tpu.dma_semaphore, #tpu.memory_space<semaphore_mem>>) src(%dma_wait3A_148 : memref<64xi32, #tpu.memory_space<hbm>>) dst(%arg13 : memref<64xi32, #tpu.memory_space<vmem>>)
      %dma_start3A_149 = arith.constant 0 : i32
      %dma_start3A_150 = arith.constant 0 : i32
      %dma_start3A_151 = tpu.memref_slice %arg2[%dma_start3A_149, %dma_start3A_150] : memref<10000x128xf32, #tpu.memory_space<hbm>> -> memref<10000x128xf32, #tpu.memory_space<hbm>>
      tpu.enqueue_indirect_dma source(%dma_start3A_151 : memref<10000x128xf32, #tpu.memory_space<hbm>>) target(%arg18 : memref<64x128xf32, #tpu.memory_space<vmem>>) offsets(%arg12 : memref<64xi32, #tpu.memory_space<vmem>>) semaphore(%arg25 : memref<!tpu.dma_semaphore, #tpu.memory_space<semaphore_mem>>)
      %dma_wait3A_152 = arith.constant 0 : i32
      %dma_wait3A_153 = arith.constant 0 : i32
      %dma_wait3A_154 = tpu.memref_slice %arg3[%dma_wait3A_152, %dma_wait3A_153] : memref<5120x64xi32, #tpu.memory_space<hbm>> -> memref<1x64xi32, #tpu.memory_space<hbm>>
      %dma_wait3A_155 = tpu.memref_squeeze %dma_wait3A_154 : memref<1x64xi32, #tpu.memory_space<hbm>> -> memref<64xi32, #tpu.memory_space<hbm>>
      %dma_wait3A_156 = arith.constant 0 : i32
      %dma_wait3A_157 = tpu.memref_slice %arg3[%dma_wait3A_152, %dma_wait3A_156] : memref<5120x64xi32, #tpu.memory_space<hbm>> -> memref<1x64xi32, #tpu.memory_space<hbm>>
      %dma_wait3A_158 = tpu.memref_squeeze %dma_wait3A_157 : memref<1x64xi32, #tpu.memory_space<hbm>> -> memref<64xi32, #tpu.memory_space<hbm>>
      tpu.wait_dma2 semaphore(%arg34 : memref<!tpu.dma_semaphore, #tpu.memory_space<semaphore_mem>>) src(%dma_wait3A_158 : memref<64xi32, #tpu.memory_space<hbm>>) dst(%arg14 : memref<64xi32, #tpu.memory_space<vmem>>)
      %dma_wait3A_159 = arith.constant 0 : i32
      %dma_wait3A_160 = arith.constant 0 : i32
      %dma_wait3A_161 = tpu.memref_slice %arg4[%dma_wait3A_159, %dma_wait3A_160] : memref<5120x64xi32, #tpu.memory_space<hbm>> -> memref<1x64xi32, #tpu.memory_space<hbm>>
      %dma_wait3A_162 = tpu.memref_squeeze %dma_wait3A_161 : memref<1x64xi32, #tpu.memory_space<hbm>> -> memref<64xi32, #tpu.memory_space<hbm>>
      %dma_wait3A_163 = arith.constant 0 : i32
      %dma_wait3A_164 = tpu.memref_slice %arg4[%dma_wait3A_159, %dma_wait3A_163] : memref<5120x64xi32, #tpu.memory_space<hbm>> -> memref<1x64xi32, #tpu.memory_space<hbm>>
      %dma_wait3A_165 = tpu.memref_squeeze %dma_wait3A_164 : memref<1x64xi32, #tpu.memory_space<hbm>> -> memref<64xi32, #tpu.memory_space<hbm>>
      tpu.wait_dma2 semaphore(%arg34 : memref<!tpu.dma_semaphore, #tpu.memory_space<semaphore_mem>>) src(%dma_wait3A_165 : memref<64xi32, #tpu.memory_space<hbm>>) dst(%arg15 : memref<64xi32, #tpu.memory_space<vmem>>)
      %dma_start3A_166 = arith.constant 0 : i32
      %dma_start3A_167 = arith.constant 0 : i32
      %dma_start3A_168 = tpu.memref_slice %arg2[%dma_start3A_166, %dma_start3A_167] : memref<10000x128xf32, #tpu.memory_space<hbm>> -> memref<10000x128xf32, #tpu.memory_space<hbm>>
      tpu.enqueue_indirect_dma source(%dma_start3A_168 : memref<10000x128xf32, #tpu.memory_space<hbm>>) target(%arg19 : memref<64x128xf32, #tpu.memory_space<vmem>>) offsets(%arg14 : memref<64xi32, #tpu.memory_space<vmem>>) semaphore(%arg26 : memref<!tpu.dma_semaphore, #tpu.memory_space<semaphore_mem>>)
      %dma_wait3A_169 = arith.constant 0 : i32
      %dma_wait3A_170 = arith.constant 0 : i32
      %dma_wait3A_171 = tpu.memref_slice %arg2[%dma_wait3A_169, %dma_wait3A_170] : memref<10000x128xf32, #tpu.memory_space<hbm>> -> memref<10000x128xf32, #tpu.memory_space<hbm>>
      tpu.wait_indirect_dma semaphore(%arg23 : memref<!tpu.dma_semaphore, #tpu.memory_space<semaphore_mem>>) src(%dma_wait3A_171 : memref<10000x128xf32, #tpu.memory_space<hbm>>) dst(%arg16 : memref<64x128xf32, #tpu.memory_space<vmem>>)
      %dma_start3A_172 = arith.constant 0 : i32
      %dma_start3A_173 = arith.constant 0 : i32
      %dma_start3A_174 = tpu.memref_slice %arg22[%dma_start3A_172, %dma_start3A_173] : memref<5120x128xf32, #tpu.memory_space<vmem_shared>> -> memref<5120x128xf32, #tpu.memory_space<vmem_shared>>
      tpu.enqueue_indirect_dma source(%arg16 : memref<64x128xf32, #tpu.memory_space<vmem>>) target(%dma_start3A_174 : memref<5120x128xf32, #tpu.memory_space<vmem_shared>>) offsets(%arg9 : memref<64xi32, #tpu.memory_space<vmem>>) semaphore(%arg27 : memref<!tpu.dma_semaphore, #tpu.memory_space<semaphore_mem>>) {add = true}
      %get3A = arith.constant 0 : index
      %get3A_175 = tpu.vector_load %arg9[%get3A] {strides = array<i32>} : memref<64xi32, #tpu.memory_space<vmem>>, vector<16xi32>,
      tpu.vector_store_idx %arg20[%get3A_175], %broadcast_in_dim3A_29 {add = true} : memref<5120xf32, #tpu.memory_space<vmem>>[vector<16xi32>], vector<16xf32>,
      %get3A_176 = arith.constant 16 : index
      %get3A_177 = tpu.vector_load %arg9[%get3A_176] {strides = array<i32>} : memref<64xi32, #tpu.memory_space<vmem>>, vector<16xi32>,
      tpu.vector_store_idx %arg20[%get3A_177], %broadcast_in_dim3A_29 {add = true} : memref<5120xf32, #tpu.memory_space<vmem>>[vector<16xi32>], vector<16xf32>,
      %get3A_178 = arith.constant 32 : index
      %get3A_179 = tpu.vector_load %arg9[%get3A_178] {strides = array<i32>} : memref<64xi32, #tpu.memory_space<vmem>>, vector<16xi32>,
      tpu.vector_store_idx %arg20[%get3A_179], %broadcast_in_dim3A_29 {add = true} : memref<5120xf32, #tpu.memory_space<vmem>>[vector<16xi32>], vector<16xf32>,
      %get3A_180 = arith.constant 48 : index
      %get3A_181 = tpu.vector_load %arg9[%get3A_180] {strides = array<i32>} : memref<64xi32, #tpu.memory_space<vmem>>, vector<16xi32>,
      tpu.vector_store_idx %arg20[%get3A_181], %broadcast_in_dim3A_29 {add = true} : memref<5120xf32, #tpu.memory_space<vmem>>[vector<16xi32>], vector<16xf32>,
      %dma_wait3A_182 = arith.constant 0 : i32
      %dma_wait3A_183 = arith.constant 0 : i32
      %dma_wait3A_184 = tpu.memref_slice %arg2[%dma_wait3A_182, %dma_wait3A_183] : memref<10000x128xf32, #tpu.memory_space<hbm>> -> memref<10000x128xf32, #tpu.memory_space<hbm>>
      tpu.wait_indirect_dma semaphore(%arg24 : memref<!tpu.dma_semaphore, #tpu.memory_space<semaphore_mem>>) src(%dma_wait3A_184 : memref<10000x128xf32, #tpu.memory_space<hbm>>) dst(%arg17 : memref<64x128xf32, #tpu.memory_space<vmem>>)
      %dma_start3A_185 = arith.constant 0 : i32
      %dma_start3A_186 = arith.constant 0 : i32
      %dma_start3A_187 = tpu.memref_slice %arg22[%dma_start3A_185, %dma_start3A_186] : memref<5120x128xf32, #tpu.memory_space<vmem_shared>> -> memref<5120x128xf32, #tpu.memory_space<vmem_shared>>
      tpu.enqueue_indirect_dma source(%arg17 : memref<64x128xf32, #tpu.memory_space<vmem>>) target(%dma_start3A_187 : memref<5120x128xf32, #tpu.memory_space<vmem_shared>>) offsets(%arg11 : memref<64xi32, #tpu.memory_space<vmem>>) semaphore(%arg28 : memref<!tpu.dma_semaphore, #tpu.memory_space<semaphore_mem>>) {add = true}
      %get3A_188 = arith.constant 0 : index
      %get3A_189 = tpu.vector_load %arg11[%get3A_188] {strides = array<i32>} : memref<64xi32, #tpu.memory_space<vmem>>, vector<16xi32>,
      tpu.vector_store_idx %arg20[%get3A_189], %broadcast_in_dim3A_29 {add = true} : memref<5120xf32, #tpu.memory_space<vmem>>[vector<16xi32>], vector<16xf32>,
      %get3A_190 = arith.constant 16 : index
      %get3A_191 = tpu.vector_load %arg11[%get3A_190] {strides = array<i32>} : memref<64xi32, #tpu.memory_space<vmem>>, vector<16xi32>,
      tpu.vector_store_idx %arg20[%get3A_191], %broadcast_in_dim3A_29 {add = true} : memref<5120xf32, #tpu.memory_space<vmem>>[vector<16xi32>], vector<16xf32>,
      %get3A_192 = arith.constant 32 : index
      %get3A_193 = tpu.vector_load %arg11[%get3A_192] {strides = array<i32>} : memref<64xi32, #tpu.memory_space<vmem>>, vector<16xi32>,
      tpu.vector_store_idx %arg20[%get3A_193], %broadcast_in_dim3A_29 {add = true} : memref<5120xf32, #tpu.memory_space<vmem>>[vector<16xi32>], vector<16xf32>,
      %get3A_194 = arith.constant 48 : index
      %get3A_195 = tpu.vector_load %arg11[%get3A_194] {strides = array<i32>} : memref<64xi32, #tpu.memory_space<vmem>>, vector<16xi32>,
      tpu.vector_store_idx %arg20[%get3A_195], %broadcast_in_dim3A_29 {add = true} : memref<5120xf32, #tpu.memory_space<vmem>>[vector<16xi32>], vector<16xf32>,
      %dma_wait3A_196 = arith.constant 0 : i32
      %dma_wait3A_197 = arith.constant 0 : i32
      %dma_wait3A_198 = tpu.memref_slice %arg2[%dma_wait3A_196, %dma_wait3A_197] : memref<10000x128xf32, #tpu.memory_space<hbm>> -> memref<10000x128xf32, #tpu.memory_space<hbm>>
      tpu.wait_indirect_dma semaphore(%arg25 : memref<!tpu.dma_semaphore, #tpu.memory_space<semaphore_mem>>) src(%dma_wait3A_198 : memref<10000x128xf32, #tpu.memory_space<hbm>>) dst(%arg18 : memref<64x128xf32, #tpu.memory_space<vmem>>)
      %dma_start3A_199 = arith.constant 0 : i32
      %dma_start3A_200 = arith.constant 0 : i32
      %dma_start3A_201 = tpu.memref_slice %arg22[%dma_start3A_199, %dma_start3A_200] : memref<5120x128xf32, #tpu.memory_space<vmem_shared>> -> memref<5120x128xf32, #tpu.memory_space<vmem_shared>>
      tpu.enqueue_indirect_dma source(%arg18 : memref<64x128xf32, #tpu.memory_space<vmem>>) target(%dma_start3A_201 : memref<5120x128xf32, #tpu.memory_space<vmem_shared>>) offsets(%arg13 : memref<64xi32, #tpu.memory_space<vmem>>) semaphore(%arg29 : memref<!tpu.dma_semaphore, #tpu.memory_space<semaphore_mem>>) {add = true}
      %get3A_202 = arith.constant 0 : index
      %get3A_203 = tpu.vector_load %arg13[%get3A_202] {strides = array<i32>} : memref<64xi32, #tpu.memory_space<vmem>>, vector<16xi32>,
      tpu.vector_store_idx %arg20[%get3A_203], %broadcast_in_dim3A_29 {add = true} : memref<5120xf32, #tpu.memory_space<vmem>>[vector<16xi32>], vector<16xf32>,
      %get3A_204 = arith.constant 16 : index
      %get3A_205 = tpu.vector_load %arg13[%get3A_204] {strides = array<i32>} : memref<64xi32, #tpu.memory_space<vmem>>, vector<16xi32>,
      tpu.vector_store_idx %arg20[%get3A_205], %broadcast_in_dim3A_29 {add = true} : memref<5120xf32, #tpu.memory_space<vmem>>[vector<16xi32>], vector<16xf32>,
      %get3A_206 = arith.constant 32 : index
      %get3A_207 = tpu.vector_load %arg13[%get3A_206] {strides = array<i32>} : memref<64xi32, #tpu.memory_space<vmem>>, vector<16xi32>,
      tpu.vector_store_idx %arg20[%get3A_207], %broadcast_in_dim3A_29 {add = true} : memref<5120xf32, #tpu.memory_space<vmem>>[vector<16xi32>], vector<16xf32>,
      %get3A_208 = arith.constant 48 : index
      %get3A_209 = tpu.vector_load %arg13[%get3A_208] {strides = array<i32>} : memref<64xi32, #tpu.memory_space<vmem>>, vector<16xi32>,
      tpu.vector_store_idx %arg20[%get3A_209], %broadcast_in_dim3A_29 {add = true} : memref<5120xf32, #tpu.memory_space<vmem>>[vector<16xi32>], vector<16xf32>,
      %dma_wait3A_210 = arith.constant 0 : i32
      %dma_wait3A_211 = arith.constant 0 : i32
      %dma_wait3A_212 = tpu.memref_slice %arg2[%dma_wait3A_210, %dma_wait3A_211] : memref<10000x128xf32, #tpu.memory_space<hbm>> -> memref<10000x128xf32, #tpu.memory_space<hbm>>
      tpu.wait_indirect_dma semaphore(%arg26 : memref<!tpu.dma_semaphore, #tpu.memory_space<semaphore_mem>>) src(%dma_wait3A_212 : memref<10000x128xf32, #tpu.memory_space<hbm>>) dst(%arg19 : memref<64x128xf32, #tpu.memory_space<vmem>>)
      %dma_start3A_213 = arith.constant 0 : i32
      %dma_start3A_214 = arith.constant 0 : i32
      %dma_start3A_215 = tpu.memref_slice %arg22[%dma_start3A_213, %dma_start3A_214] : memref<5120x128xf32, #tpu.memory_space<vmem_shared>> -> memref<5120x128xf32, #tpu.memory_space<vmem_shared>>
      tpu.enqueue_indirect_dma source(%arg19 : memref<64x128xf32, #tpu.memory_space<vmem>>) target(%dma_start3A_215 : memref<5120x128xf32, #tpu.memory_space<vmem_shared>>) offsets(%arg15 : memref<64xi32, #tpu.memory_space<vmem>>) semaphore(%arg30 : memref<!tpu.dma_semaphore, #tpu.memory_space<semaphore_mem>>) {add = true}
      %get3A_216 = arith.constant 0 : index
      %get3A_217 = tpu.vector_load %arg15[%get3A_216] {strides = array<i32>} : memref<64xi32, #tpu.memory_space<vmem>>, vector<16xi32>,
      tpu.vector_store_idx %arg20[%get3A_217], %broadcast_in_dim3A_29 {add = true} : memref<5120xf32, #tpu.memory_space<vmem>>[vector<16xi32>], vector<16xf32>,
      %get3A_218 = arith.constant 16 : index
      %get3A_219 = tpu.vector_load %arg15[%get3A_218] {strides = array<i32>} : memref<64xi32, #tpu.memory_space<vmem>>, vector<16xi32>,
      tpu.vector_store_idx %arg20[%get3A_219], %broadcast_in_dim3A_29 {add = true} : memref<5120xf32, #tpu.memory_space<vmem>>[vector<16xi32>], vector<16xf32>,
      %get3A_220 = arith.constant 32 : index
      %get3A_221 = tpu.vector_load %arg15[%get3A_220] {strides = array<i32>} : memref<64xi32, #tpu.memory_space<vmem>>, vector<16xi32>,
      tpu.vector_store_idx %arg20[%get3A_221], %broadcast_in_dim3A_29 {add = true} : memref<5120xf32, #tpu.memory_space<vmem>>[vector<16xi32>], vector<16xf32>,
      %get3A_222 = arith.constant 48 : index
      %get3A_223 = tpu.vector_load %arg15[%get3A_222] {strides = array<i32>} : memref<64xi32, #tpu.memory_space<vmem>>, vector<16xi32>,
      tpu.vector_store_idx %arg20[%get3A_223], %broadcast_in_dim3A_29 {add = true} : memref<5120xf32, #tpu.memory_space<vmem>>[vector<16xi32>], vector<16xf32>,
      %dma_wait3A_224 = arith.constant 0 : i32
      %dma_wait3A_225 = arith.constant 0 : i32
      %dma_wait3A_226 = tpu.memref_slice %arg22[%dma_wait3A_224, %dma_wait3A_225] : memref<5120x128xf32, #tpu.memory_space<vmem_shared>> -> memref<5120x128xf32, #tpu.memory_space<vmem_shared>>
      tpu.wait_indirect_dma semaphore(%arg27 : memref<!tpu.dma_semaphore, #tpu.memory_space<semaphore_mem>>) src(%arg16 : memref<64x128xf32, #tpu.memory_space<vmem>>) dst(%dma_wait3A_226 : memref<5120x128xf32, #tpu.memory_space<vmem_shared>>)
      %dma_wait3A_227 = arith.constant 0 : i32
      %dma_wait3A_228 = arith.constant 0 : i32
      %dma_wait3A_229 = tpu.memref_slice %arg22[%dma_wait3A_227, %dma_wait3A_228] : memref<5120x128xf32, #tpu.memory_space<vmem_shared>> -> memref<5120x128xf32, #tpu.memory_space<vmem_shared>>
      tpu.wait_indirect_dma semaphore(%arg28 : memref<!tpu.dma_semaphore, #tpu.memory_space<semaphore_mem>>) src(%arg17 : memref<64x128xf32, #tpu.memory_space<vmem>>) dst(%dma_wait3A_229 : memref<5120x128xf32, #tpu.memory_space<vmem_shared>>)
      %dma_wait3A_230 = arith.constant 0 : i32
      %dma_wait3A_231 = arith.constant 0 : i32
      %dma_wait3A_232 = tpu.memref_slice %arg22[%dma_wait3A_230, %dma_wait3A_231] : memref<5120x128xf32, #tpu.memory_space<vmem_shared>> -> memref<5120x128xf32, #tpu.memory_space<vmem_shared>>
      tpu.wait_indirect_dma semaphore(%arg29 : memref<!tpu.dma_semaphore, #tpu.memory_space<semaphore_mem>>) src(%arg18 : memref<64x128xf32, #tpu.memory_space<vmem>>) dst(%dma_wait3A_232 : memref<5120x128xf32, #tpu.memory_space<vmem_shared>>)
      %dma_wait3A_233 = arith.constant 0 : i32
      %dma_wait3A_234 = arith.constant 0 : i32
      %dma_wait3A_235 = tpu.memref_slice %arg22[%dma_wait3A_233, %dma_wait3A_234] : memref<5120x128xf32, #tpu.memory_space<vmem_shared>> -> memref<5120x128xf32, #tpu.memory_space<vmem_shared>>
      tpu.wait_indirect_dma semaphore(%arg30 : memref<!tpu.dma_semaphore, #tpu.memory_space<semaphore_mem>>) src(%arg19 : memref<64x128xf32, #tpu.memory_space<vmem>>) dst(%dma_wait3A_235 : memref<5120x128xf32, #tpu.memory_space<vmem_shared>>)
    } else {
    }
    %eq3A_32 = arith.constant 1 : i32
    %eq3A_33 = arith.cmpi eq, %arg0, %eq3A_32 : i32
    %convert_element_type3A_34 = arith.extui %eq3A_33 : i1 to i32
    %cond3A_35 = arith.constant 0 : i32
    %cond3A_36 = arith.cmpi ne, %convert_element_type3A_34, %cond3A_35 : i32
    scf.if %cond3A_36 {
      %mul3A_38 = arith.constant 72 : i32
      %mul3A_39 = arith.muli %arg1, %mul3A_38 : i32
      %add3A_40 = arith.constant 3968 : i32
      %add3A_41 = arith.addi %add3A_40, %mul3A_39 : i32
      %add3A_42 = arith.constant 0 : i32
      %add3A_43 = arith.addi %add3A_41, %add3A_42 : i32
      %dma_start3A = arith.constant 0 : i32
      %dma_start3A_44 = tpu.memref_slice %arg3[%add3A_43, %dma_start3A] : memref<5120x64xi32, #tpu.memory_space<hbm>> -> memref<1x64xi32, #tpu.memory_space<hbm>>
      %dma_start3A_45 = tpu.memref_squeeze %dma_start3A_44 : memref<1x64xi32, #tpu.memory_space<hbm>> -> memref<64xi32, #tpu.memory_space<hbm>>
      %dma_start3A_46 = arith.constant 0 : i32
      %dma_start3A_47 = tpu.memref_slice %arg3[%add3A_43, %dma_start3A_46] : memref<5120x64xi32, #tpu.memory_space<hbm>> -> memref<1x64xi32, #tpu.memory_space<hbm>>
      %dma_start3A_48 = tpu.memref_squeeze %dma_start3A_47 : memref<1x64xi32, #tpu.memory_space<hbm>> -> memref<64xi32, #tpu.memory_space<hbm>>
      tpu.enqueue_dma source(%dma_start3A_48 : memref<64xi32, #tpu.memory_space<hbm>>) target(%arg8 : memref<64xi32, #tpu.memory_space<vmem>>) target_semaphore(%arg31 : memref<!tpu.dma_semaphore, #tpu.memory_space<semaphore_mem>>)
      %dma_start3A_49 = arith.constant 0 : i32
      %dma_start3A_50 = tpu.memref_slice %arg4[%add3A_43, %dma_start3A_49] : memref<5120x64xi32, #tpu.memory_space<hbm>> -> memref<1x64xi32, #tpu.memory_space<hbm>>
      %dma_start3A_51 = tpu.memref_squeeze %dma_start3A_50 : memref<1x64xi32, #tpu.memory_space<hbm>> -> memref<64xi32, #tpu.memory_space<hbm>>
      %dma_start3A_52 = arith.constant 0 : i32
      %dma_start3A_53 = tpu.memref_slice %arg4[%add3A_43, %dma_start3A_52] : memref<5120x64xi32, #tpu.memory_space<hbm>> -> memref<1x64xi32, #tpu.memory_space<hbm>>
      %dma_start3A_54 = tpu.memref_squeeze %dma_start3A_53 : memref<1x64xi32, #tpu.memory_space<hbm>> -> memref<64xi32, #tpu.memory_space<hbm>>
      tpu.enqueue_dma source(%dma_start3A_54 : memref<64xi32, #tpu.memory_space<hbm>>) target(%arg9 : memref<64xi32, #tpu.memory_space<vmem>>) target_semaphore(%arg31 : memref<!tpu.dma_semaphore, #tpu.memory_space<semaphore_mem>>)
      %add3A_55 = arith.constant 1 : i32
      %add3A_56 = arith.addi %add3A_41, %add3A_55 : i32
      %dma_start3A_57 = arith.constant 0 : i32
      %dma_start3A_58 = tpu.memref_slice %arg3[%add3A_56, %dma_start3A_57] : memref<5120x64xi32, #tpu.memory_space<hbm>> -> memref<1x64xi32, #tpu.memory_space<hbm>>
      %dma_start3A_59 = tpu.memref_squeeze %dma_start3A_58 : memref<1x64xi32, #tpu.memory_space<hbm>> -> memref<64xi32, #tpu.memory_space<hbm>>
      %dma_start3A_60 = arith.constant 0 : i32
      %dma_start3A_61 = tpu.memref_slice %arg3[%add3A_56, %dma_start3A_60] : memref<5120x64xi32, #tpu.memory_space<hbm>> -> memref<1x64xi32, #tpu.memory_space<hbm>>
      %dma_start3A_62 = tpu.memref_squeeze %dma_start3A_61 : memref<1x64xi32, #tpu.memory_space<hbm>> -> memref<64xi32, #tpu.memory_space<hbm>>
      tpu.enqueue_dma source(%dma_start3A_62 : memref<64xi32, #tpu.memory_space<hbm>>) target(%arg10 : memref<64xi32, #tpu.memory_space<vmem>>) target_semaphore(%arg32 : memref<!tpu.dma_semaphore, #tpu.memory_space<semaphore_mem>>)
      %dma_start3A_63 = arith.constant 0 : i32
      %dma_start3A_64 = tpu.memref_slice %arg4[%add3A_56, %dma_start3A_63] : memref<5120x64xi32, #tpu.memory_space<hbm>> -> memref<1x64xi32, #tpu.memory_space<hbm>>
      %dma_start3A_65 = tpu.memref_squeeze %dma_start3A_64 : memref<1x64xi32, #tpu.memory_space<hbm>> -> memref<64xi32, #tpu.memory_space<hbm>>
      %dma_start3A_66 = arith.constant 0 : i32
      %dma_start3A_67 = tpu.memref_slice %arg4[%add3A_56, %dma_start3A_66] : memref<5120x64xi32, #tpu.memory_space<hbm>> -> memref<1x64xi32, #tpu.memory_space<hbm>>
      %dma_start3A_68 = tpu.memref_squeeze %dma_start3A_67 : memref<1x64xi32, #tpu.memory_space<hbm>> -> memref<64xi32, #tpu.memory_space<hbm>>
      tpu.enqueue_dma source(%dma_start3A_68 : memref<64xi32, #tpu.memory_space<hbm>>) target(%arg11 : memref<64xi32, #tpu.memory_space<vmem>>) target_semaphore(%arg32 : memref<!tpu.dma_semaphore, #tpu.memory_space<semaphore_mem>>)
      %add3A_69 = arith.constant 2 : i32
      %add3A_70 = arith.addi %add3A_41, %add3A_69 : i32
      %dma_start3A_71 = arith.constant 0 : i32
      %dma_start3A_72 = tpu.memref_slice %arg3[%add3A_70, %dma_start3A_71] : memref<5120x64xi32, #tpu.memory_space<hbm>> -> memref<1x64xi32, #tpu.memory_space<hbm>>
      %dma_start3A_73 = tpu.memref_squeeze %dma_start3A_72 : memref<1x64xi32, #tpu.memory_space<hbm>> -> memref<64xi32, #tpu.memory_space<hbm>>
      %dma_start3A_74 = arith.constant 0 : i32
      %dma_start3A_75 = tpu.memref_slice %arg3[%add3A_70, %dma_start3A_74] : memref<5120x64xi32, #tpu.memory_space<hbm>> -> memref<1x64xi32, #tpu.memory_space<hbm>>
      %dma_start3A_76 = tpu.memref_squeeze %dma_start3A_75 : memref<1x64xi32, #tpu.memory_space<hbm>> -> memref<64xi32, #tpu.memory_space<hbm>>
      tpu.enqueue_dma source(%dma_start3A_76 : memref<64xi32, #tpu.memory_space<hbm>>) target(%arg12 : memref<64xi32, #tpu.memory_space<vmem>>) target_semaphore(%arg33 : memref<!tpu.dma_semaphore, #tpu.memory_space<semaphore_mem>>)
      %dma_start3A_77 = arith.constant 0 : i32
      %dma_start3A_78 = tpu.memref_slice %arg4[%add3A_70, %dma_start3A_77] : memref<5120x64xi32, #tpu.memory_space<hbm>> -> memref<1x64xi32, #tpu.memory_space<hbm>>
      %dma_start3A_79 = tpu.memref_squeeze %dma_start3A_78 : memref<1x64xi32, #tpu.memory_space<hbm>> -> memref<64xi32, #tpu.memory_space<hbm>>
      %dma_start3A_80 = arith.constant 0 : i32
      %dma_start3A_81 = tpu.memref_slice %arg4[%add3A_70, %dma_start3A_80] : memref<5120x64xi32, #tpu.memory_space<hbm>> -> memref<1x64xi32, #tpu.memory_space<hbm>>
      %dma_start3A_82 = tpu.memref_squeeze %dma_start3A_81 : memref<1x64xi32, #tpu.memory_space<hbm>> -> memref<64xi32, #tpu.memory_space<hbm>>
      tpu.enqueue_dma source(%dma_start3A_82 : memref<64xi32, #tpu.memory_space<hbm>>) target(%arg13 : memref<64xi32, #tpu.memory_space<vmem>>) target_semaphore(%arg33 : memref<!tpu.dma_semaphore, #tpu.memory_space<semaphore_mem>>)
      %add3A_83 = arith.constant 3 : i32
      %add3A_84 = arith.addi %add3A_41, %add3A_83 : i32
      %dma_start3A_85 = arith.constant 0 : i32
      %dma_start3A_86 = tpu.memref_slice %arg3[%add3A_84, %dma_start3A_85] : memref<5120x64xi32, #tpu.memory_space<hbm>> -> memref<1x64xi32, #tpu.memory_space<hbm>>
      %dma_start3A_87 = tpu.memref_squeeze %dma_start3A_86 : memref<1x64xi32, #tpu.memory_space<hbm>> -> memref<64xi32, #tpu.memory_space<hbm>>
      %dma_start3A_88 = arith.constant 0 : i32
      %dma_start3A_89 = tpu.memref_slice %arg3[%add3A_84, %dma_start3A_88] : memref<5120x64xi32, #tpu.memory_space<hbm>> -> memref<1x64xi32, #tpu.memory_space<hbm>>
      %dma_start3A_90 = tpu.memref_squeeze %dma_start3A_89 : memref<1x64xi32, #tpu.memory_space<hbm>> -> memref<64xi32, #tpu.memory_space<hbm>>
      tpu.enqueue_dma source(%dma_start3A_90 : memref<64xi32, #tpu.memory_space<hbm>>) target(%arg14 : memref<64xi32, #tpu.memory_space<vmem>>) target_semaphore(%arg34 : memref<!tpu.dma_semaphore, #tpu.memory_space<semaphore_mem>>)
      %dma_start3A_91 = arith.constant 0 : i32
      %dma_start3A_92 = tpu.memref_slice %arg4[%add3A_84, %dma_start3A_91] : memref<5120x64xi32, #tpu.memory_space<hbm>> -> memref<1x64xi32, #tpu.memory_space<hbm>>
      %dma_start3A_93 = tpu.memref_squeeze %dma_start3A_92 : memref<1x64xi32, #tpu.memory_space<hbm>> -> memref<64xi32, #tpu.memory_space<hbm>>
      %dma_start3A_94 = arith.constant 0 : i32
      %dma_start3A_95 = tpu.memref_slice %arg4[%add3A_84, %dma_start3A_94] : memref<5120x64xi32, #tpu.memory_space<hbm>> -> memref<1x64xi32, #tpu.memory_space<hbm>>
      %dma_start3A_96 = tpu.memref_squeeze %dma_start3A_95 : memref<1x64xi32, #tpu.memory_space<hbm>> -> memref<64xi32, #tpu.memory_space<hbm>>
      tpu.enqueue_dma source(%dma_start3A_96 : memref<64xi32, #tpu.memory_space<hbm>>) target(%arg15 : memref<64xi32, #tpu.memory_space<vmem>>) target_semaphore(%arg34 : memref<!tpu.dma_semaphore, #tpu.memory_space<semaphore_mem>>)
      %scan3A_97 = arith.constant 0 : i32
      %scan3A_98 = arith.constant 0 : i32
      %scan3A_99 = arith.constant 17 : i32
      %scan3A_100 = arith.addi %scan3A_98, %scan3A_99 : i32
      %scan3A_101 = arith.constant 1 : i32
      %scan3A_102 = scf.for %scan3A_238 = %scan3A_98 to %scan3A_100 step %scan3A_101 iter_args(%scan3A_239 = %scan3A_97) -> (i32)  : i32 {
        %mul3A_240 = arith.constant 4 : i32
        %mul3A_241 = arith.muli %scan3A_238, %mul3A_240 : i32
        %add3A_242 = arith.addi %add3A_41, %mul3A_241 : i32
        %dma_wait3A_243 = arith.constant 0 : i32
        %dma_wait3A_244 = arith.constant 0 : i32
        %dma_wait3A_245 = tpu.memref_slice %arg3[%dma_wait3A_243, %dma_wait3A_244] : memref<5120x64xi32, #tpu.memory_space<hbm>> -> memref<1x64xi32, #tpu.memory_space<hbm>>
        %dma_wait3A_246 = tpu.memref_squeeze %dma_wait3A_245 : memref<1x64xi32, #tpu.memory_space<hbm>> -> memref<64xi32, #tpu.memory_space<hbm>>
        %dma_wait3A_247 = arith.constant 0 : i32
        %dma_wait3A_248 = tpu.memref_slice %arg3[%dma_wait3A_243, %dma_wait3A_247] : memref<5120x64xi32, #tpu.memory_space<hbm>> -> memref<1x64xi32, #tpu.memory_space<hbm>>
        %dma_wait3A_249 = tpu.memref_squeeze %dma_wait3A_248 : memref<1x64xi32, #tpu.memory_space<hbm>> -> memref<64xi32, #tpu.memory_space<hbm>>
        tpu.wait_dma2 semaphore(%arg31 : memref<!tpu.dma_semaphore, #tpu.memory_space<semaphore_mem>>) src(%dma_wait3A_249 : memref<64xi32, #tpu.memory_space<hbm>>) dst(%arg8 : memref<64xi32, #tpu.memory_space<vmem>>)
        %dma_wait3A_250 = arith.constant 0 : i32
        %dma_wait3A_251 = arith.constant 0 : i32
        %dma_wait3A_252 = tpu.memref_slice %arg4[%dma_wait3A_250, %dma_wait3A_251] : memref<5120x64xi32, #tpu.memory_space<hbm>> -> memref<1x64xi32, #tpu.memory_space<hbm>>
        %dma_wait3A_253 = tpu.memref_squeeze %dma_wait3A_252 : memref<1x64xi32, #tpu.memory_space<hbm>> -> memref<64xi32, #tpu.memory_space<hbm>>
        %dma_wait3A_254 = arith.constant 0 : i32
        %dma_wait3A_255 = tpu.memref_slice %arg4[%dma_wait3A_250, %dma_wait3A_254] : memref<5120x64xi32, #tpu.memory_space<hbm>> -> memref<1x64xi32, #tpu.memory_space<hbm>>
        %dma_wait3A_256 = tpu.memref_squeeze %dma_wait3A_255 : memref<1x64xi32, #tpu.memory_space<hbm>> -> memref<64xi32, #tpu.memory_space<hbm>>
        tpu.wait_dma2 semaphore(%arg31 : memref<!tpu.dma_semaphore, #tpu.memory_space<semaphore_mem>>) src(%dma_wait3A_256 : memref<64xi32, #tpu.memory_space<hbm>>) dst(%arg9 : memref<64xi32, #tpu.memory_space<vmem>>)
        %dma_start3A_257 = arith.constant 0 : i32
        %dma_start3A_258 = arith.constant 0 : i32
        %dma_start3A_259 = tpu.memref_slice %arg2[%dma_start3A_257, %dma_start3A_258] : memref<10000x128xf32, #tpu.memory_space<hbm>> -> memref<10000x128xf32, #tpu.memory_space<hbm>>
        tpu.enqueue_indirect_dma source(%dma_start3A_259 : memref<10000x128xf32, #tpu.memory_space<hbm>>) target(%arg16 : memref<64x128xf32, #tpu.memory_space<vmem>>) offsets(%arg8 : memref<64xi32, #tpu.memory_space<vmem>>) semaphore(%arg23 : memref<!tpu.dma_semaphore, #tpu.memory_space<semaphore_mem>>)
        %dma_wait3A_260 = arith.constant 0 : i32
        %dma_wait3A_261 = arith.constant 0 : i32
        %dma_wait3A_262 = tpu.memref_slice %arg3[%dma_wait3A_260, %dma_wait3A_261] : memref<5120x64xi32, #tpu.memory_space<hbm>> -> memref<1x64xi32, #tpu.memory_space<hbm>>
        %dma_wait3A_263 = tpu.memref_squeeze %dma_wait3A_262 : memref<1x64xi32, #tpu.memory_space<hbm>> -> memref<64xi32, #tpu.memory_space<hbm>>
        %dma_wait3A_264 = arith.constant 0 : i32
        %dma_wait3A_265 = tpu.memref_slice %arg3[%dma_wait3A_260, %dma_wait3A_264] : memref<5120x64xi32, #tpu.memory_space<hbm>> -> memref<1x64xi32, #tpu.memory_space<hbm>>
        %dma_wait3A_266 = tpu.memref_squeeze %dma_wait3A_265 : memref<1x64xi32, #tpu.memory_space<hbm>> -> memref<64xi32, #tpu.memory_space<hbm>>
        tpu.wait_dma2 semaphore(%arg32 : memref<!tpu.dma_semaphore, #tpu.memory_space<semaphore_mem>>) src(%dma_wait3A_266 : memref<64xi32, #tpu.memory_space<hbm>>) dst(%arg10 : memref<64xi32, #tpu.memory_space<vmem>>)
        %dma_wait3A_267 = arith.constant 0 : i32
        %dma_wait3A_268 = arith.constant 0 : i32
        %dma_wait3A_269 = tpu.memref_slice %arg4[%dma_wait3A_267, %dma_wait3A_268] : memref<5120x64xi32, #tpu.memory_space<hbm>> -> memref<1x64xi32, #tpu.memory_space<hbm>>
        %dma_wait3A_270 = tpu.memref_squeeze %dma_wait3A_269 : memref<1x64xi32, #tpu.memory_space<hbm>> -> memref<64xi32, #tpu.memory_space<hbm>>
        %dma_wait3A_271 = arith.constant 0 : i32
        %dma_wait3A_272 = tpu.memref_slice %arg4[%dma_wait3A_267, %dma_wait3A_271] : memref<5120x64xi32, #tpu.memory_space<hbm>> -> memref<1x64xi32, #tpu.memory_space<hbm>>
        %dma_wait3A_273 = tpu.memref_squeeze %dma_wait3A_272 : memref<1x64xi32, #tpu.memory_space<hbm>> -> memref<64xi32, #tpu.memory_space<hbm>>
        tpu.wait_dma2 semaphore(%arg32 : memref<!tpu.dma_semaphore, #tpu.memory_space<semaphore_mem>>) src(%dma_wait3A_273 : memref<64xi32, #tpu.memory_space<hbm>>) dst(%arg11 : memref<64xi32, #tpu.memory_space<vmem>>)
        %dma_start3A_274 = arith.constant 0 : i32
        %dma_start3A_275 = arith.constant 0 : i32
        %dma_start3A_276 = tpu.memref_slice %arg2[%dma_start3A_274, %dma_start3A_275] : memref<10000x128xf32, #tpu.memory_space<hbm>> -> memref<10000x128xf32, #tpu.memory_space<hbm>>
        tpu.enqueue_indirect_dma source(%dma_start3A_276 : memref<10000x128xf32, #tpu.memory_space<hbm>>) target(%arg17 : memref<64x128xf32, #tpu.memory_space<vmem>>) offsets(%arg10 : memref<64xi32, #tpu.memory_space<vmem>>) semaphore(%arg24 : memref<!tpu.dma_semaphore, #tpu.memory_space<semaphore_mem>>)
        %dma_wait3A_277 = arith.constant 0 : i32
        %dma_wait3A_278 = arith.constant 0 : i32
        %dma_wait3A_279 = tpu.memref_slice %arg3[%dma_wait3A_277, %dma_wait3A_278] : memref<5120x64xi32, #tpu.memory_space<hbm>> -> memref<1x64xi32, #tpu.memory_space<hbm>>
        %dma_wait3A_280 = tpu.memref_squeeze %dma_wait3A_279 : memref<1x64xi32, #tpu.memory_space<hbm>> -> memref<64xi32, #tpu.memory_space<hbm>>
        %dma_wait3A_281 = arith.constant 0 : i32
        %dma_wait3A_282 = tpu.memref_slice %arg3[%dma_wait3A_277, %dma_wait3A_281] : memref<5120x64xi32, #tpu.memory_space<hbm>> -> memref<1x64xi32, #tpu.memory_space<hbm>>
        %dma_wait3A_283 = tpu.memref_squeeze %dma_wait3A_282 : memref<1x64xi32, #tpu.memory_space<hbm>> -> memref<64xi32, #tpu.memory_space<hbm>>
        tpu.wait_dma2 semaphore(%arg33 : memref<!tpu.dma_semaphore, #tpu.memory_space<semaphore_mem>>) src(%dma_wait3A_283 : memref<64xi32, #tpu.memory_space<hbm>>) dst(%arg12 : memref<64xi32, #tpu.memory_space<vmem>>)
        %dma_wait3A_284 = arith.constant 0 : i32
        %dma_wait3A_285 = arith.constant 0 : i32
        %dma_wait3A_286 = tpu.memref_slice %arg4[%dma_wait3A_284, %dma_wait3A_285] : memref<5120x64xi32, #tpu.memory_space<hbm>> -> memref<1x64xi32, #tpu.memory_space<hbm>>
        %dma_wait3A_287 = tpu.memref_squeeze %dma_wait3A_286 : memref<1x64xi32, #tpu.memory_space<hbm>> -> memref<64xi32, #tpu.memory_space<hbm>>
        %dma_wait3A_288 = arith.constant 0 : i32
        %dma_wait3A_289 = tpu.memref_slice %arg4[%dma_wait3A_284, %dma_wait3A_288] : memref<5120x64xi32, #tpu.memory_space<hbm>> -> memref<1x64xi32, #tpu.memory_space<hbm>>
        %dma_wait3A_290 = tpu.memref_squeeze %dma_wait3A_289 : memref<1x64xi32, #tpu.memory_space<hbm>> -> memref<64xi32, #tpu.memory_space<hbm>>
        tpu.wait_dma2 semaphore(%arg33 : memref<!tpu.dma_semaphore, #tpu.memory_space<semaphore_mem>>) src(%dma_wait3A_290 : memref<64xi32, #tpu.memory_space<hbm>>) dst(%arg13 : memref<64xi32, #tpu.memory_space<vmem>>)
        %dma_start3A_291 = arith.constant 0 : i32
        %dma_start3A_292 = arith.constant 0 : i32
        %dma_start3A_293 = tpu.memref_slice %arg2[%dma_start3A_291, %dma_start3A_292] : memref<10000x128xf32, #tpu.memory_space<hbm>> -> memref<10000x128xf32, #tpu.memory_space<hbm>>
        tpu.enqueue_indirect_dma source(%dma_start3A_293 : memref<10000x128xf32, #tpu.memory_space<hbm>>) target(%arg18 : memref<64x128xf32, #tpu.memory_space<vmem>>) offsets(%arg12 : memref<64xi32, #tpu.memory_space<vmem>>) semaphore(%arg25 : memref<!tpu.dma_semaphore, #tpu.memory_space<semaphore_mem>>)
        %dma_wait3A_294 = arith.constant 0 : i32
        %dma_wait3A_295 = arith.constant 0 : i32
        %dma_wait3A_296 = tpu.memref_slice %arg3[%dma_wait3A_294, %dma_wait3A_295] : memref<5120x64xi32, #tpu.memory_space<hbm>> -> memref<1x64xi32, #tpu.memory_space<hbm>>
        %dma_wait3A_297 = tpu.memref_squeeze %dma_wait3A_296 : memref<1x64xi32, #tpu.memory_space<hbm>> -> memref<64xi32, #tpu.memory_space<hbm>>
        %dma_wait3A_298 = arith.constant 0 : i32
        %dma_wait3A_299 = tpu.memref_slice %arg3[%dma_wait3A_294, %dma_wait3A_298] : memref<5120x64xi32, #tpu.memory_space<hbm>> -> memref<1x64xi32, #tpu.memory_space<hbm>>
        %dma_wait3A_300 = tpu.memref_squeeze %dma_wait3A_299 : memref<1x64xi32, #tpu.memory_space<hbm>> -> memref<64xi32, #tpu.memory_space<hbm>>
        tpu.wait_dma2 semaphore(%arg34 : memref<!tpu.dma_semaphore, #tpu.memory_space<semaphore_mem>>) src(%dma_wait3A_300 : memref<64xi32, #tpu.memory_space<hbm>>) dst(%arg14 : memref<64xi32, #tpu.memory_space<vmem>>)
        %dma_wait3A_301 = arith.constant 0 : i32
        %dma_wait3A_302 = arith.constant 0 : i32
        %dma_wait3A_303 = tpu.memref_slice %arg4[%dma_wait3A_301, %dma_wait3A_302] : memref<5120x64xi32, #tpu.memory_space<hbm>> -> memref<1x64xi32, #tpu.memory_space<hbm>>
        %dma_wait3A_304 = tpu.memref_squeeze %dma_wait3A_303 : memref<1x64xi32, #tpu.memory_space<hbm>> -> memref<64xi32, #tpu.memory_space<hbm>>
        %dma_wait3A_305 = arith.constant 0 : i32
        %dma_wait3A_306 = tpu.memref_slice %arg4[%dma_wait3A_301, %dma_wait3A_305] : memref<5120x64xi32, #tpu.memory_space<hbm>> -> memref<1x64xi32, #tpu.memory_space<hbm>>
        %dma_wait3A_307 = tpu.memref_squeeze %dma_wait3A_306 : memref<1x64xi32, #tpu.memory_space<hbm>> -> memref<64xi32, #tpu.memory_space<hbm>>
        tpu.wait_dma2 semaphore(%arg34 : memref<!tpu.dma_semaphore, #tpu.memory_space<semaphore_mem>>) src(%dma_wait3A_307 : memref<64xi32, #tpu.memory_space<hbm>>) dst(%arg15 : memref<64xi32, #tpu.memory_space<vmem>>)
        %dma_start3A_308 = arith.constant 0 : i32
        %dma_start3A_309 = arith.constant 0 : i32
        %dma_start3A_310 = tpu.memref_slice %arg2[%dma_start3A_308, %dma_start3A_309] : memref<10000x128xf32, #tpu.memory_space<hbm>> -> memref<10000x128xf32, #tpu.memory_space<hbm>>
        tpu.enqueue_indirect_dma source(%dma_start3A_310 : memref<10000x128xf32, #tpu.memory_space<hbm>>) target(%arg19 : memref<64x128xf32, #tpu.memory_space<vmem>>) offsets(%arg14 : memref<64xi32, #tpu.memory_space<vmem>>) semaphore(%arg26 : memref<!tpu.dma_semaphore, #tpu.memory_space<semaphore_mem>>)
        %dma_wait3A_311 = arith.constant 0 : i32
        %dma_wait3A_312 = arith.constant 0 : i32
        %dma_wait3A_313 = tpu.memref_slice %arg2[%dma_wait3A_311, %dma_wait3A_312] : memref<10000x128xf32, #tpu.memory_space<hbm>> -> memref<10000x128xf32, #tpu.memory_space<hbm>>
        tpu.wait_indirect_dma semaphore(%arg23 : memref<!tpu.dma_semaphore, #tpu.memory_space<semaphore_mem>>) src(%dma_wait3A_313 : memref<10000x128xf32, #tpu.memory_space<hbm>>) dst(%arg16 : memref<64x128xf32, #tpu.memory_space<vmem>>)
        %dma_start3A_314 = arith.constant 0 : i32
        %dma_start3A_315 = arith.constant 0 : i32
        %dma_start3A_316 = tpu.memref_slice %arg22[%dma_start3A_314, %dma_start3A_315] : memref<5120x128xf32, #tpu.memory_space<vmem_shared>> -> memref<5120x128xf32, #tpu.memory_space<vmem_shared>>
        tpu.enqueue_indirect_dma source(%arg16 : memref<64x128xf32, #tpu.memory_space<vmem>>) target(%dma_start3A_316 : memref<5120x128xf32, #tpu.memory_space<vmem_shared>>) offsets(%arg9 : memref<64xi32, #tpu.memory_space<vmem>>) semaphore(%arg27 : memref<!tpu.dma_semaphore, #tpu.memory_space<semaphore_mem>>) {add = true}
        %get3A_317 = arith.constant 0 : index
        %get3A_318 = tpu.vector_load %arg9[%get3A_317] {strides = array<i32>} : memref<64xi32, #tpu.memory_space<vmem>>, vector<16xi32>,
        tpu.vector_store_idx %arg20[%get3A_318], %broadcast_in_dim3A_29 {add = true} : memref<5120xf32, #tpu.memory_space<vmem>>[vector<16xi32>], vector<16xf32>,
        %get3A_319 = arith.constant 16 : index
        %get3A_320 = tpu.vector_load %arg9[%get3A_319] {strides = array<i32>} : memref<64xi32, #tpu.memory_space<vmem>>, vector<16xi32>,
        tpu.vector_store_idx %arg20[%get3A_320], %broadcast_in_dim3A_29 {add = true} : memref<5120xf32, #tpu.memory_space<vmem>>[vector<16xi32>], vector<16xf32>,
        %get3A_321 = arith.constant 32 : index
        %get3A_322 = tpu.vector_load %arg9[%get3A_321] {strides = array<i32>} : memref<64xi32, #tpu.memory_space<vmem>>, vector<16xi32>,
        tpu.vector_store_idx %arg20[%get3A_322], %broadcast_in_dim3A_29 {add = true} : memref<5120xf32, #tpu.memory_space<vmem>>[vector<16xi32>], vector<16xf32>,
        %get3A_323 = arith.constant 48 : index
        %get3A_324 = tpu.vector_load %arg9[%get3A_323] {strides = array<i32>} : memref<64xi32, #tpu.memory_space<vmem>>, vector<16xi32>,
        tpu.vector_store_idx %arg20[%get3A_324], %broadcast_in_dim3A_29 {add = true} : memref<5120xf32, #tpu.memory_space<vmem>>[vector<16xi32>], vector<16xf32>,
        %dma_wait3A_325 = arith.constant 0 : i32
        %dma_wait3A_326 = arith.constant 0 : i32
        %dma_wait3A_327 = tpu.memref_slice %arg2[%dma_wait3A_325, %dma_wait3A_326] : memref<10000x128xf32, #tpu.memory_space<hbm>> -> memref<10000x128xf32, #tpu.memory_space<hbm>>
        tpu.wait_indirect_dma semaphore(%arg24 : memref<!tpu.dma_semaphore, #tpu.memory_space<semaphore_mem>>) src(%dma_wait3A_327 : memref<10000x128xf32, #tpu.memory_space<hbm>>) dst(%arg17 : memref<64x128xf32, #tpu.memory_space<vmem>>)
        %dma_start3A_328 = arith.constant 0 : i32
        %dma_start3A_329 = arith.constant 0 : i32
        %dma_start3A_330 = tpu.memref_slice %arg22[%dma_start3A_328, %dma_start3A_329] : memref<5120x128xf32, #tpu.memory_space<vmem_shared>> -> memref<5120x128xf32, #tpu.memory_space<vmem_shared>>
        tpu.enqueue_indirect_dma source(%arg17 : memref<64x128xf32, #tpu.memory_space<vmem>>) target(%dma_start3A_330 : memref<5120x128xf32, #tpu.memory_space<vmem_shared>>) offsets(%arg11 : memref<64xi32, #tpu.memory_space<vmem>>) semaphore(%arg28 : memref<!tpu.dma_semaphore, #tpu.memory_space<semaphore_mem>>) {add = true}
        %get3A_331 = arith.constant 0 : index
        %get3A_332 = tpu.vector_load %arg11[%get3A_331] {strides = array<i32>} : memref<64xi32, #tpu.memory_space<vmem>>, vector<16xi32>,
        tpu.vector_store_idx %arg20[%get3A_332], %broadcast_in_dim3A_29 {add = true} : memref<5120xf32, #tpu.memory_space<vmem>>[vector<16xi32>], vector<16xf32>,
        %get3A_333 = arith.constant 16 : index
        %get3A_334 = tpu.vector_load %arg11[%get3A_333] {strides = array<i32>} : memref<64xi32, #tpu.memory_space<vmem>>, vector<16xi32>,
        tpu.vector_store_idx %arg20[%get3A_334], %broadcast_in_dim3A_29 {add = true} : memref<5120xf32, #tpu.memory_space<vmem>>[vector<16xi32>], vector<16xf32>,
        %get3A_335 = arith.constant 32 : index
        %get3A_336 = tpu.vector_load %arg11[%get3A_335] {strides = array<i32>} : memref<64xi32, #tpu.memory_space<vmem>>, vector<16xi32>,
        tpu.vector_store_idx %arg20[%get3A_336], %broadcast_in_dim3A_29 {add = true} : memref<5120xf32, #tpu.memory_space<vmem>>[vector<16xi32>], vector<16xf32>,
        %get3A_337 = arith.constant 48 : index
        %get3A_338 = tpu.vector_load %arg11[%get3A_337] {strides = array<i32>} : memref<64xi32, #tpu.memory_space<vmem>>, vector<16xi32>,
        tpu.vector_store_idx %arg20[%get3A_338], %broadcast_in_dim3A_29 {add = true} : memref<5120xf32, #tpu.memory_space<vmem>>[vector<16xi32>], vector<16xf32>,
        %dma_wait3A_339 = arith.constant 0 : i32
        %dma_wait3A_340 = arith.constant 0 : i32
        %dma_wait3A_341 = tpu.memref_slice %arg2[%dma_wait3A_339, %dma_wait3A_340] : memref<10000x128xf32, #tpu.memory_space<hbm>> -> memref<10000x128xf32, #tpu.memory_space<hbm>>
        tpu.wait_indirect_dma semaphore(%arg25 : memref<!tpu.dma_semaphore, #tpu.memory_space<semaphore_mem>>) src(%dma_wait3A_341 : memref<10000x128xf32, #tpu.memory_space<hbm>>) dst(%arg18 : memref<64x128xf32, #tpu.memory_space<vmem>>)
        %dma_start3A_342 = arith.constant 0 : i32
        %dma_start3A_343 = arith.constant 0 : i32
        %dma_start3A_344 = tpu.memref_slice %arg22[%dma_start3A_342, %dma_start3A_343] : memref<5120x128xf32, #tpu.memory_space<vmem_shared>> -> memref<5120x128xf32, #tpu.memory_space<vmem_shared>>
        tpu.enqueue_indirect_dma source(%arg18 : memref<64x128xf32, #tpu.memory_space<vmem>>) target(%dma_start3A_344 : memref<5120x128xf32, #tpu.memory_space<vmem_shared>>) offsets(%arg13 : memref<64xi32, #tpu.memory_space<vmem>>) semaphore(%arg29 : memref<!tpu.dma_semaphore, #tpu.memory_space<semaphore_mem>>) {add = true}
        %get3A_345 = arith.constant 0 : index
        %get3A_346 = tpu.vector_load %arg13[%get3A_345] {strides = array<i32>} : memref<64xi32, #tpu.memory_space<vmem>>, vector<16xi32>,
        tpu.vector_store_idx %arg20[%get3A_346], %broadcast_in_dim3A_29 {add = true} : memref<5120xf32, #tpu.memory_space<vmem>>[vector<16xi32>], vector<16xf32>,
        %get3A_347 = arith.constant 16 : index
        %get3A_348 = tpu.vector_load %arg13[%get3A_347] {strides = array<i32>} : memref<64xi32, #tpu.memory_space<vmem>>, vector<16xi32>,
        tpu.vector_store_idx %arg20[%get3A_348], %broadcast_in_dim3A_29 {add = true} : memref<5120xf32, #tpu.memory_space<vmem>>[vector<16xi32>], vector<16xf32>,
        %get3A_349 = arith.constant 32 : index
        %get3A_350 = tpu.vector_load %arg13[%get3A_349] {strides = array<i32>} : memref<64xi32, #tpu.memory_space<vmem>>, vector<16xi32>,
        tpu.vector_store_idx %arg20[%get3A_350], %broadcast_in_dim3A_29 {add = true} : memref<5120xf32, #tpu.memory_space<vmem>>[vector<16xi32>], vector<16xf32>,
        %get3A_351 = arith.constant 48 : index
        %get3A_352 = tpu.vector_load %arg13[%get3A_351] {strides = array<i32>} : memref<64xi32, #tpu.memory_space<vmem>>, vector<16xi32>,
        tpu.vector_store_idx %arg20[%get3A_352], %broadcast_in_dim3A_29 {add = true} : memref<5120xf32, #tpu.memory_space<vmem>>[vector<16xi32>], vector<16xf32>,
        %dma_wait3A_353 = arith.constant 0 : i32
        %dma_wait3A_354 = arith.constant 0 : i32
        %dma_wait3A_355 = tpu.memref_slice %arg2[%dma_wait3A_353, %dma_wait3A_354] : memref<10000x128xf32, #tpu.memory_space<hbm>> -> memref<10000x128xf32, #tpu.memory_space<hbm>>
        tpu.wait_indirect_dma semaphore(%arg26 : memref<!tpu.dma_semaphore, #tpu.memory_space<semaphore_mem>>) src(%dma_wait3A_355 : memref<10000x128xf32, #tpu.memory_space<hbm>>) dst(%arg19 : memref<64x128xf32, #tpu.memory_space<vmem>>)
        %dma_start3A_356 = arith.constant 0 : i32
        %dma_start3A_357 = arith.constant 0 : i32
        %dma_start3A_358 = tpu.memref_slice %arg22[%dma_start3A_356, %dma_start3A_357] : memref<5120x128xf32, #tpu.memory_space<vmem_shared>> -> memref<5120x128xf32, #tpu.memory_space<vmem_shared>>
        tpu.enqueue_indirect_dma source(%arg19 : memref<64x128xf32, #tpu.memory_space<vmem>>) target(%dma_start3A_358 : memref<5120x128xf32, #tpu.memory_space<vmem_shared>>) offsets(%arg15 : memref<64xi32, #tpu.memory_space<vmem>>) semaphore(%arg30 : memref<!tpu.dma_semaphore, #tpu.memory_space<semaphore_mem>>) {add = true}
        %get3A_359 = arith.constant 0 : index
        %get3A_360 = tpu.vector_load %arg15[%get3A_359] {strides = array<i32>} : memref<64xi32, #tpu.memory_space<vmem>>, vector<16xi32>,
        tpu.vector_store_idx %arg20[%get3A_360], %broadcast_in_dim3A_29 {add = true} : memref<5120xf32, #tpu.memory_space<vmem>>[vector<16xi32>], vector<16xf32>,
        %get3A_361 = arith.constant 16 : index
        %get3A_362 = tpu.vector_load %arg15[%get3A_361] {strides = array<i32>} : memref<64xi32, #tpu.memory_space<vmem>>, vector<16xi32>,
        tpu.vector_store_idx %arg20[%get3A_362], %broadcast_in_dim3A_29 {add = true} : memref<5120xf32, #tpu.memory_space<vmem>>[vector<16xi32>], vector<16xf32>,
        %get3A_363 = arith.constant 32 : index
        %get3A_364 = tpu.vector_load %arg15[%get3A_363] {strides = array<i32>} : memref<64xi32, #tpu.memory_space<vmem>>, vector<16xi32>,
        tpu.vector_store_idx %arg20[%get3A_364], %broadcast_in_dim3A_29 {add = true} : memref<5120xf32, #tpu.memory_space<vmem>>[vector<16xi32>], vector<16xf32>,
        %get3A_365 = arith.constant 48 : index
        %get3A_366 = tpu.vector_load %arg15[%get3A_365] {strides = array<i32>} : memref<64xi32, #tpu.memory_space<vmem>>, vector<16xi32>,
        tpu.vector_store_idx %arg20[%get3A_366], %broadcast_in_dim3A_29 {add = true} : memref<5120xf32, #tpu.memory_space<vmem>>[vector<16xi32>], vector<16xf32>,
        %dma_wait3A_367 = arith.constant 0 : i32
        %dma_wait3A_368 = arith.constant 0 : i32
        %dma_wait3A_369 = tpu.memref_slice %arg22[%dma_wait3A_367, %dma_wait3A_368] : memref<5120x128xf32, #tpu.memory_space<vmem_shared>> -> memref<5120x128xf32, #tpu.memory_space<vmem_shared>>
        tpu.wait_indirect_dma semaphore(%arg27 : memref<!tpu.dma_semaphore, #tpu.memory_space<semaphore_mem>>) src(%arg16 : memref<64x128xf32, #tpu.memory_space<vmem>>) dst(%dma_wait3A_369 : memref<5120x128xf32, #tpu.memory_space<vmem_shared>>)
        %add3A_370 = arith.constant 4 : i32
        %add3A_371 = arith.addi %add3A_242, %add3A_370 : i32
        %add3A_372 = arith.constant 0 : i32
        %add3A_373 = arith.addi %add3A_371, %add3A_372 : i32
        %dma_start3A_374 = arith.constant 0 : i32
        %dma_start3A_375 = tpu.memref_slice %arg3[%add3A_373, %dma_start3A_374] : memref<5120x64xi32, #tpu.memory_space<hbm>> -> memref<1x64xi32, #tpu.memory_space<hbm>>
        %dma_start3A_376 = tpu.memref_squeeze %dma_start3A_375 : memref<1x64xi32, #tpu.memory_space<hbm>> -> memref<64xi32, #tpu.memory_space<hbm>>
        %dma_start3A_377 = arith.constant 0 : i32
        %dma_start3A_378 = tpu.memref_slice %arg3[%add3A_373, %dma_start3A_377] : memref<5120x64xi32, #tpu.memory_space<hbm>> -> memref<1x64xi32, #tpu.memory_space<hbm>>
        %dma_start3A_379 = tpu.memref_squeeze %dma_start3A_378 : memref<1x64xi32, #tpu.memory_space<hbm>> -> memref<64xi32, #tpu.memory_space<hbm>>
        tpu.enqueue_dma source(%dma_start3A_379 : memref<64xi32, #tpu.memory_space<hbm>>) target(%arg8 : memref<64xi32, #tpu.memory_space<vmem>>) target_semaphore(%arg31 : memref<!tpu.dma_semaphore, #tpu.memory_space<semaphore_mem>>)
        %dma_start3A_380 = arith.constant 0 : i32
        %dma_start3A_381 = tpu.memref_slice %arg4[%add3A_373, %dma_start3A_380] : memref<5120x64xi32, #tpu.memory_space<hbm>> -> memref<1x64xi32, #tpu.memory_space<hbm>>
        %dma_start3A_382 = tpu.memref_squeeze %dma_start3A_381 : memref<1x64xi32, #tpu.memory_space<hbm>> -> memref<64xi32, #tpu.memory_space<hbm>>
        %dma_start3A_383 = arith.constant 0 : i32
        %dma_start3A_384 = tpu.memref_slice %arg4[%add3A_373, %dma_start3A_383] : memref<5120x64xi32, #tpu.memory_space<hbm>> -> memref<1x64xi32, #tpu.memory_space<hbm>>
        %dma_start3A_385 = tpu.memref_squeeze %dma_start3A_384 : memref<1x64xi32, #tpu.memory_space<hbm>> -> memref<64xi32, #tpu.memory_space<hbm>>
        tpu.enqueue_dma source(%dma_start3A_385 : memref<64xi32, #tpu.memory_space<hbm>>) target(%arg9 : memref<64xi32, #tpu.memory_space<vmem>>) target_semaphore(%arg31 : memref<!tpu.dma_semaphore, #tpu.memory_space<semaphore_mem>>)
        %dma_wait3A_386 = arith.constant 0 : i32
        %dma_wait3A_387 = arith.constant 0 : i32
        %dma_wait3A_388 = tpu.memref_slice %arg22[%dma_wait3A_386, %dma_wait3A_387] : memref<5120x128xf32, #tpu.memory_space<vmem_shared>> -> memref<5120x128xf32, #tpu.memory_space<vmem_shared>>
        tpu.wait_indirect_dma semaphore(%arg28 : memref<!tpu.dma_semaphore, #tpu.memory_space<semaphore_mem>>) src(%arg17 : memref<64x128xf32, #tpu.memory_space<vmem>>) dst(%dma_wait3A_388 : memref<5120x128xf32, #tpu.memory_space<vmem_shared>>)
        %add3A_389 = arith.constant 4 : i32
        %add3A_390 = arith.addi %add3A_242, %add3A_389 : i32
        %add3A_391 = arith.constant 1 : i32
        %add3A_392 = arith.addi %add3A_390, %add3A_391 : i32
        %dma_start3A_393 = arith.constant 0 : i32
        %dma_start3A_394 = tpu.memref_slice %arg3[%add3A_392, %dma_start3A_393] : memref<5120x64xi32, #tpu.memory_space<hbm>> -> memref<1x64xi32, #tpu.memory_space<hbm>>
        %dma_start3A_395 = tpu.memref_squeeze %dma_start3A_394 : memref<1x64xi32, #tpu.memory_space<hbm>> -> memref<64xi32, #tpu.memory_space<hbm>>
        %dma_start3A_396 = arith.constant 0 : i32
        %dma_start3A_397 = tpu.memref_slice %arg3[%add3A_392, %dma_start3A_396] : memref<5120x64xi32, #tpu.memory_space<hbm>> -> memref<1x64xi32, #tpu.memory_space<hbm>>
        %dma_start3A_398 = tpu.memref_squeeze %dma_start3A_397 : memref<1x64xi32, #tpu.memory_space<hbm>> -> memref<64xi32, #tpu.memory_space<hbm>>
        tpu.enqueue_dma source(%dma_start3A_398 : memref<64xi32, #tpu.memory_space<hbm>>) target(%arg10 : memref<64xi32, #tpu.memory_space<vmem>>) target_semaphore(%arg32 : memref<!tpu.dma_semaphore, #tpu.memory_space<semaphore_mem>>)
        %dma_start3A_399 = arith.constant 0 : i32
        %dma_start3A_400 = tpu.memref_slice %arg4[%add3A_392, %dma_start3A_399] : memref<5120x64xi32, #tpu.memory_space<hbm>> -> memref<1x64xi32, #tpu.memory_space<hbm>>
        %dma_start3A_401 = tpu.memref_squeeze %dma_start3A_400 : memref<1x64xi32, #tpu.memory_space<hbm>> -> memref<64xi32, #tpu.memory_space<hbm>>
        %dma_start3A_402 = arith.constant 0 : i32
        %dma_start3A_403 = tpu.memref_slice %arg4[%add3A_392, %dma_start3A_402] : memref<5120x64xi32, #tpu.memory_space<hbm>> -> memref<1x64xi32, #tpu.memory_space<hbm>>
        %dma_start3A_404 = tpu.memref_squeeze %dma_start3A_403 : memref<1x64xi32, #tpu.memory_space<hbm>> -> memref<64xi32, #tpu.memory_space<hbm>>
        tpu.enqueue_dma source(%dma_start3A_404 : memref<64xi32, #tpu.memory_space<hbm>>) target(%arg11 : memref<64xi32, #tpu.memory_space<vmem>>) target_semaphore(%arg32 : memref<!tpu.dma_semaphore, #tpu.memory_space<semaphore_mem>>)
        %dma_wait3A_405 = arith.constant 0 : i32
        %dma_wait3A_406 = arith.constant 0 : i32
        %dma_wait3A_407 = tpu.memref_slice %arg22[%dma_wait3A_405, %dma_wait3A_406] : memref<5120x128xf32, #tpu.memory_space<vmem_shared>> -> memref<5120x128xf32, #tpu.memory_space<vmem_shared>>
        tpu.wait_indirect_dma semaphore(%arg29 : memref<!tpu.dma_semaphore, #tpu.memory_space<semaphore_mem>>) src(%arg18 : memref<64x128xf32, #tpu.memory_space<vmem>>) dst(%dma_wait3A_407 : memref<5120x128xf32, #tpu.memory_space<vmem_shared>>)
        %add3A_408 = arith.constant 4 : i32
        %add3A_409 = arith.addi %add3A_242, %add3A_408 : i32
        %add3A_410 = arith.constant 2 : i32
        %add3A_411 = arith.addi %add3A_409, %add3A_410 : i32
        %dma_start3A_412 = arith.constant 0 : i32
        %dma_start3A_413 = tpu.memref_slice %arg3[%add3A_411, %dma_start3A_412] : memref<5120x64xi32, #tpu.memory_space<hbm>> -> memref<1x64xi32, #tpu.memory_space<hbm>>
        %dma_start3A_414 = tpu.memref_squeeze %dma_start3A_413 : memref<1x64xi32, #tpu.memory_space<hbm>> -> memref<64xi32, #tpu.memory_space<hbm>>
        %dma_start3A_415 = arith.constant 0 : i32
        %dma_start3A_416 = tpu.memref_slice %arg3[%add3A_411, %dma_start3A_415] : memref<5120x64xi32, #tpu.memory_space<hbm>> -> memref<1x64xi32, #tpu.memory_space<hbm>>
        %dma_start3A_417 = tpu.memref_squeeze %dma_start3A_416 : memref<1x64xi32, #tpu.memory_space<hbm>> -> memref<64xi32, #tpu.memory_space<hbm>>
        tpu.enqueue_dma source(%dma_start3A_417 : memref<64xi32, #tpu.memory_space<hbm>>) target(%arg12 : memref<64xi32, #tpu.memory_space<vmem>>) target_semaphore(%arg33 : memref<!tpu.dma_semaphore, #tpu.memory_space<semaphore_mem>>)
        %dma_start3A_418 = arith.constant 0 : i32
        %dma_start3A_419 = tpu.memref_slice %arg4[%add3A_411, %dma_start3A_418] : memref<5120x64xi32, #tpu.memory_space<hbm>> -> memref<1x64xi32, #tpu.memory_space<hbm>>
        %dma_start3A_420 = tpu.memref_squeeze %dma_start3A_419 : memref<1x64xi32, #tpu.memory_space<hbm>> -> memref<64xi32, #tpu.memory_space<hbm>>
        %dma_start3A_421 = arith.constant 0 : i32
        %dma_start3A_422 = tpu.memref_slice %arg4[%add3A_411, %dma_start3A_421] : memref<5120x64xi32, #tpu.memory_space<hbm>> -> memref<1x64xi32, #tpu.memory_space<hbm>>
        %dma_start3A_423 = tpu.memref_squeeze %dma_start3A_422 : memref<1x64xi32, #tpu.memory_space<hbm>> -> memref<64xi32, #tpu.memory_space<hbm>>
        tpu.enqueue_dma source(%dma_start3A_423 : memref<64xi32, #tpu.memory_space<hbm>>) target(%arg13 : memref<64xi32, #tpu.memory_space<vmem>>) target_semaphore(%arg33 : memref<!tpu.dma_semaphore, #tpu.memory_space<semaphore_mem>>)
        %dma_wait3A_424 = arith.constant 0 : i32
        %dma_wait3A_425 = arith.constant 0 : i32
        %dma_wait3A_426 = tpu.memref_slice %arg22[%dma_wait3A_424, %dma_wait3A_425] : memref<5120x128xf32, #tpu.memory_space<vmem_shared>> -> memref<5120x128xf32, #tpu.memory_space<vmem_shared>>
        tpu.wait_indirect_dma semaphore(%arg30 : memref<!tpu.dma_semaphore, #tpu.memory_space<semaphore_mem>>) src(%arg19 : memref<64x128xf32, #tpu.memory_space<vmem>>) dst(%dma_wait3A_426 : memref<5120x128xf32, #tpu.memory_space<vmem_shared>>)
        %add3A_427 = arith.constant 4 : i32
        %add3A_428 = arith.addi %add3A_242, %add3A_427 : i32
        %add3A_429 = arith.constant 3 : i32
        %add3A_430 = arith.addi %add3A_428, %add3A_429 : i32
        %dma_start3A_431 = arith.constant 0 : i32
        %dma_start3A_432 = tpu.memref_slice %arg3[%add3A_430, %dma_start3A_431] : memref<5120x64xi32, #tpu.memory_space<hbm>> -> memref<1x64xi32, #tpu.memory_space<hbm>>
        %dma_start3A_433 = tpu.memref_squeeze %dma_start3A_432 : memref<1x64xi32, #tpu.memory_space<hbm>> -> memref<64xi32, #tpu.memory_space<hbm>>
        %dma_start3A_434 = arith.constant 0 : i32
        %dma_start3A_435 = tpu.memref_slice %arg3[%add3A_430, %dma_start3A_434] : memref<5120x64xi32, #tpu.memory_space<hbm>> -> memref<1x64xi32, #tpu.memory_space<hbm>>
        %dma_start3A_436 = tpu.memref_squeeze %dma_start3A_435 : memref<1x64xi32, #tpu.memory_space<hbm>> -> memref<64xi32, #tpu.memory_space<hbm>>
        tpu.enqueue_dma source(%dma_start3A_436 : memref<64xi32, #tpu.memory_space<hbm>>) target(%arg14 : memref<64xi32, #tpu.memory_space<vmem>>) target_semaphore(%arg34 : memref<!tpu.dma_semaphore, #tpu.memory_space<semaphore_mem>>)
        %dma_start3A_437 = arith.constant 0 : i32
        %dma_start3A_438 = tpu.memref_slice %arg4[%add3A_430, %dma_start3A_437] : memref<5120x64xi32, #tpu.memory_space<hbm>> -> memref<1x64xi32, #tpu.memory_space<hbm>>
        %dma_start3A_439 = tpu.memref_squeeze %dma_start3A_438 : memref<1x64xi32, #tpu.memory_space<hbm>> -> memref<64xi32, #tpu.memory_space<hbm>>
        %dma_start3A_440 = arith.constant 0 : i32
        %dma_start3A_441 = tpu.memref_slice %arg4[%add3A_430, %dma_start3A_440] : memref<5120x64xi32, #tpu.memory_space<hbm>> -> memref<1x64xi32, #tpu.memory_space<hbm>>
        %dma_start3A_442 = tpu.memref_squeeze %dma_start3A_441 : memref<1x64xi32, #tpu.memory_space<hbm>> -> memref<64xi32, #tpu.memory_space<hbm>>
        tpu.enqueue_dma source(%dma_start3A_442 : memref<64xi32, #tpu.memory_space<hbm>>) target(%arg15 : memref<64xi32, #tpu.memory_space<vmem>>) target_semaphore(%arg34 : memref<!tpu.dma_semaphore, #tpu.memory_space<semaphore_mem>>)
        %scan3A_443 = arith.constant 0 : i32
        scf.yield %scan3A_443 : i32
      }
      %scan3A_103 = arith.constant 17 : i32
      %dma_wait3A = arith.constant 0 : i32
      %dma_wait3A_104 = arith.constant 0 : i32
      %dma_wait3A_105 = tpu.memref_slice %arg3[%dma_wait3A, %dma_wait3A_104] : memref<5120x64xi32, #tpu.memory_space<hbm>> -> memref<1x64xi32, #tpu.memory_space<hbm>>
      %dma_wait3A_106 = tpu.memref_squeeze %dma_wait3A_105 : memref<1x64xi32, #tpu.memory_space<hbm>> -> memref<64xi32, #tpu.memory_space<hbm>>
      %dma_wait3A_107 = arith.constant 0 : i32
      %dma_wait3A_108 = tpu.memref_slice %arg3[%dma_wait3A, %dma_wait3A_107] : memref<5120x64xi32, #tpu.memory_space<hbm>> -> memref<1x64xi32, #tpu.memory_space<hbm>>
      %dma_wait3A_109 = tpu.memref_squeeze %dma_wait3A_108 : memref<1x64xi32, #tpu.memory_space<hbm>> -> memref<64xi32, #tpu.memory_space<hbm>>
      tpu.wait_dma2 semaphore(%arg31 : memref<!tpu.dma_semaphore, #tpu.memory_space<semaphore_mem>>) src(%dma_wait3A_109 : memref<64xi32, #tpu.memory_space<hbm>>) dst(%arg8 : memref<64xi32, #tpu.memory_space<vmem>>)
      %dma_wait3A_110 = arith.constant 0 : i32
      %dma_wait3A_111 = arith.constant 0 : i32
      %dma_wait3A_112 = tpu.memref_slice %arg4[%dma_wait3A_110, %dma_wait3A_111] : memref<5120x64xi32, #tpu.memory_space<hbm>> -> memref<1x64xi32, #tpu.memory_space<hbm>>
      %dma_wait3A_113 = tpu.memref_squeeze %dma_wait3A_112 : memref<1x64xi32, #tpu.memory_space<hbm>> -> memref<64xi32, #tpu.memory_space<hbm>>
      %dma_wait3A_114 = arith.constant 0 : i32
      %dma_wait3A_115 = tpu.memref_slice %arg4[%dma_wait3A_110, %dma_wait3A_114] : memref<5120x64xi32, #tpu.memory_space<hbm>> -> memref<1x64xi32, #tpu.memory_space<hbm>>
      %dma_wait3A_116 = tpu.memref_squeeze %dma_wait3A_115 : memref<1x64xi32, #tpu.memory_space<hbm>> -> memref<64xi32, #tpu.memory_space<hbm>>
      tpu.wait_dma2 semaphore(%arg31 : memref<!tpu.dma_semaphore, #tpu.memory_space<semaphore_mem>>) src(%dma_wait3A_116 : memref<64xi32, #tpu.memory_space<hbm>>) dst(%arg9 : memref<64xi32, #tpu.memory_space<vmem>>)
      %dma_start3A_117 = arith.constant 0 : i32
      %dma_start3A_118 = arith.constant 0 : i32
      %dma_start3A_119 = tpu.memref_slice %arg2[%dma_start3A_117, %dma_start3A_118] : memref<10000x128xf32, #tpu.memory_space<hbm>> -> memref<10000x128xf32, #tpu.memory_space<hbm>>
      tpu.enqueue_indirect_dma source(%dma_start3A_119 : memref<10000x128xf32, #tpu.memory_space<hbm>>) target(%arg16 : memref<64x128xf32, #tpu.memory_space<vmem>>) offsets(%arg8 : memref<64xi32, #tpu.memory_space<vmem>>) semaphore(%arg23 : memref<!tpu.dma_semaphore, #tpu.memory_space<semaphore_mem>>)
      %dma_wait3A_120 = arith.constant 0 : i32
      %dma_wait3A_121 = arith.constant 0 : i32
      %dma_wait3A_122 = tpu.memref_slice %arg3[%dma_wait3A_120, %dma_wait3A_121] : memref<5120x64xi32, #tpu.memory_space<hbm>> -> memref<1x64xi32, #tpu.memory_space<hbm>>
      %dma_wait3A_123 = tpu.memref_squeeze %dma_wait3A_122 : memref<1x64xi32, #tpu.memory_space<hbm>> -> memref<64xi32, #tpu.memory_space<hbm>>
      %dma_wait3A_124 = arith.constant 0 : i32
      %dma_wait3A_125 = tpu.memref_slice %arg3[%dma_wait3A_120, %dma_wait3A_124] : memref<5120x64xi32, #tpu.memory_space<hbm>> -> memref<1x64xi32, #tpu.memory_space<hbm>>
      %dma_wait3A_126 = tpu.memref_squeeze %dma_wait3A_125 : memref<1x64xi32, #tpu.memory_space<hbm>> -> memref<64xi32, #tpu.memory_space<hbm>>
      tpu.wait_dma2 semaphore(%arg32 : memref<!tpu.dma_semaphore, #tpu.memory_space<semaphore_mem>>) src(%dma_wait3A_126 : memref<64xi32, #tpu.memory_space<hbm>>) dst(%arg10 : memref<64xi32, #tpu.memory_space<vmem>>)
      %dma_wait3A_127 = arith.constant 0 : i32
      %dma_wait3A_128 = arith.constant 0 : i32
      %dma_wait3A_129 = tpu.memref_slice %arg4[%dma_wait3A_127, %dma_wait3A_128] : memref<5120x64xi32, #tpu.memory_space<hbm>> -> memref<1x64xi32, #tpu.memory_space<hbm>>
      %dma_wait3A_130 = tpu.memref_squeeze %dma_wait3A_129 : memref<1x64xi32, #tpu.memory_space<hbm>> -> memref<64xi32, #tpu.memory_space<hbm>>
      %dma_wait3A_131 = arith.constant 0 : i32
      %dma_wait3A_132 = tpu.memref_slice %arg4[%dma_wait3A_127, %dma_wait3A_131] : memref<5120x64xi32, #tpu.memory_space<hbm>> -> memref<1x64xi32, #tpu.memory_space<hbm>>
      %dma_wait3A_133 = tpu.memref_squeeze %dma_wait3A_132 : memref<1x64xi32, #tpu.memory_space<hbm>> -> memref<64xi32, #tpu.memory_space<hbm>>
      tpu.wait_dma2 semaphore(%arg32 : memref<!tpu.dma_semaphore, #tpu.memory_space<semaphore_mem>>) src(%dma_wait3A_133 : memref<64xi32, #tpu.memory_space<hbm>>) dst(%arg11 : memref<64xi32, #tpu.memory_space<vmem>>)
      %dma_start3A_134 = arith.constant 0 : i32
      %dma_start3A_135 = arith.constant 0 : i32
      %dma_start3A_136 = tpu.memref_slice %arg2[%dma_start3A_134, %dma_start3A_135] : memref<10000x128xf32, #tpu.memory_space<hbm>> -> memref<10000x128xf32, #tpu.memory_space<hbm>>
      tpu.enqueue_indirect_dma source(%dma_start3A_136 : memref<10000x128xf32, #tpu.memory_space<hbm>>) target(%arg17 : memref<64x128xf32, #tpu.memory_space<vmem>>) offsets(%arg10 : memref<64xi32, #tpu.memory_space<vmem>>) semaphore(%arg24 : memref<!tpu.dma_semaphore, #tpu.memory_space<semaphore_mem>>)
      %dma_wait3A_137 = arith.constant 0 : i32
      %dma_wait3A_138 = arith.constant 0 : i32
      %dma_wait3A_139 = tpu.memref_slice %arg3[%dma_wait3A_137, %dma_wait3A_138] : memref<5120x64xi32, #tpu.memory_space<hbm>> -> memref<1x64xi32, #tpu.memory_space<hbm>>
      %dma_wait3A_140 = tpu.memref_squeeze %dma_wait3A_139 : memref<1x64xi32, #tpu.memory_space<hbm>> -> memref<64xi32, #tpu.memory_space<hbm>>
      %dma_wait3A_141 = arith.constant 0 : i32
      %dma_wait3A_142 = tpu.memref_slice %arg3[%dma_wait3A_137, %dma_wait3A_141] : memref<5120x64xi32, #tpu.memory_space<hbm>> -> memref<1x64xi32, #tpu.memory_space<hbm>>
      %dma_wait3A_143 = tpu.memref_squeeze %dma_wait3A_142 : memref<1x64xi32, #tpu.memory_space<hbm>> -> memref<64xi32, #tpu.memory_space<hbm>>
      tpu.wait_dma2 semaphore(%arg33 : memref<!tpu.dma_semaphore, #tpu.memory_space<semaphore_mem>>) src(%dma_wait3A_143 : memref<64xi32, #tpu.memory_space<hbm>>) dst(%arg12 : memref<64xi32, #tpu.memory_space<vmem>>)
      %dma_wait3A_144 = arith.constant 0 : i32
      %dma_wait3A_145 = arith.constant 0 : i32
      %dma_wait3A_146 = tpu.memref_slice %arg4[%dma_wait3A_144, %dma_wait3A_145] : memref<5120x64xi32, #tpu.memory_space<hbm>> -> memref<1x64xi32, #tpu.memory_space<hbm>>
      %dma_wait3A_147 = tpu.memref_squeeze %dma_wait3A_146 : memref<1x64xi32, #tpu.memory_space<hbm>> -> memref<64xi32, #tpu.memory_space<hbm>>
      %dma_wait3A_148 = arith.constant 0 : i32
      %dma_wait3A_149 = tpu.memref_slice %arg4[%dma_wait3A_144, %dma_wait3A_148] : memref<5120x64xi32, #tpu.memory_space<hbm>> -> memref<1x64xi32, #tpu.memory_space<hbm>>
      %dma_wait3A_150 = tpu.memref_squeeze %dma_wait3A_149 : memref<1x64xi32, #tpu.memory_space<hbm>> -> memref<64xi32, #tpu.memory_space<hbm>>
      tpu.wait_dma2 semaphore(%arg33 : memref<!tpu.dma_semaphore, #tpu.memory_space<semaphore_mem>>) src(%dma_wait3A_150 : memref<64xi32, #tpu.memory_space<hbm>>) dst(%arg13 : memref<64xi32, #tpu.memory_space<vmem>>)
      %dma_start3A_151 = arith.constant 0 : i32
      %dma_start3A_152 = arith.constant 0 : i32
      %dma_start3A_153 = tpu.memref_slice %arg2[%dma_start3A_151, %dma_start3A_152] : memref<10000x128xf32, #tpu.memory_space<hbm>> -> memref<10000x128xf32, #tpu.memory_space<hbm>>
      tpu.enqueue_indirect_dma source(%dma_start3A_153 : memref<10000x128xf32, #tpu.memory_space<hbm>>) target(%arg18 : memref<64x128xf32, #tpu.memory_space<vmem>>) offsets(%arg12 : memref<64xi32, #tpu.memory_space<vmem>>) semaphore(%arg25 : memref<!tpu.dma_semaphore, #tpu.memory_space<semaphore_mem>>)
      %dma_wait3A_154 = arith.constant 0 : i32
      %dma_wait3A_155 = arith.constant 0 : i32
      %dma_wait3A_156 = tpu.memref_slice %arg3[%dma_wait3A_154, %dma_wait3A_155] : memref<5120x64xi32, #tpu.memory_space<hbm>> -> memref<1x64xi32, #tpu.memory_space<hbm>>
      %dma_wait3A_157 = tpu.memref_squeeze %dma_wait3A_156 : memref<1x64xi32, #tpu.memory_space<hbm>> -> memref<64xi32, #tpu.memory_space<hbm>>
      %dma_wait3A_158 = arith.constant 0 : i32
      %dma_wait3A_159 = tpu.memref_slice %arg3[%dma_wait3A_154, %dma_wait3A_158] : memref<5120x64xi32, #tpu.memory_space<hbm>> -> memref<1x64xi32, #tpu.memory_space<hbm>>
      %dma_wait3A_160 = tpu.memref_squeeze %dma_wait3A_159 : memref<1x64xi32, #tpu.memory_space<hbm>> -> memref<64xi32, #tpu.memory_space<hbm>>
      tpu.wait_dma2 semaphore(%arg34 : memref<!tpu.dma_semaphore, #tpu.memory_space<semaphore_mem>>) src(%dma_wait3A_160 : memref<64xi32, #tpu.memory_space<hbm>>) dst(%arg14 : memref<64xi32, #tpu.memory_space<vmem>>)
      %dma_wait3A_161 = arith.constant 0 : i32
      %dma_wait3A_162 = arith.constant 0 : i32
      %dma_wait3A_163 = tpu.memref_slice %arg4[%dma_wait3A_161, %dma_wait3A_162] : memref<5120x64xi32, #tpu.memory_space<hbm>> -> memref<1x64xi32, #tpu.memory_space<hbm>>
      %dma_wait3A_164 = tpu.memref_squeeze %dma_wait3A_163 : memref<1x64xi32, #tpu.memory_space<hbm>> -> memref<64xi32, #tpu.memory_space<hbm>>
      %dma_wait3A_165 = arith.constant 0 : i32
      %dma_wait3A_166 = tpu.memref_slice %arg4[%dma_wait3A_161, %dma_wait3A_165] : memref<5120x64xi32, #tpu.memory_space<hbm>> -> memref<1x64xi32, #tpu.memory_space<hbm>>
      %dma_wait3A_167 = tpu.memref_squeeze %dma_wait3A_166 : memref<1x64xi32, #tpu.memory_space<hbm>> -> memref<64xi32, #tpu.memory_space<hbm>>
      tpu.wait_dma2 semaphore(%arg34 : memref<!tpu.dma_semaphore, #tpu.memory_space<semaphore_mem>>) src(%dma_wait3A_167 : memref<64xi32, #tpu.memory_space<hbm>>) dst(%arg15 : memref<64xi32, #tpu.memory_space<vmem>>)
      %dma_start3A_168 = arith.constant 0 : i32
      %dma_start3A_169 = arith.constant 0 : i32
      %dma_start3A_170 = tpu.memref_slice %arg2[%dma_start3A_168, %dma_start3A_169] : memref<10000x128xf32, #tpu.memory_space<hbm>> -> memref<10000x128xf32, #tpu.memory_space<hbm>>
      tpu.enqueue_indirect_dma source(%dma_start3A_170 : memref<10000x128xf32, #tpu.memory_space<hbm>>) target(%arg19 : memref<64x128xf32, #tpu.memory_space<vmem>>) offsets(%arg14 : memref<64xi32, #tpu.memory_space<vmem>>) semaphore(%arg26 : memref<!tpu.dma_semaphore, #tpu.memory_space<semaphore_mem>>)
      %dma_wait3A_171 = arith.constant 0 : i32
      %dma_wait3A_172 = arith.constant 0 : i32
      %dma_wait3A_173 = tpu.memref_slice %arg2[%dma_wait3A_171, %dma_wait3A_172] : memref<10000x128xf32, #tpu.memory_space<hbm>> -> memref<10000x128xf32, #tpu.memory_space<hbm>>
      tpu.wait_indirect_dma semaphore(%arg23 : memref<!tpu.dma_semaphore, #tpu.memory_space<semaphore_mem>>) src(%dma_wait3A_173 : memref<10000x128xf32, #tpu.memory_space<hbm>>) dst(%arg16 : memref<64x128xf32, #tpu.memory_space<vmem>>)
      %dma_start3A_174 = arith.constant 0 : i32
      %dma_start3A_175 = arith.constant 0 : i32
      %dma_start3A_176 = tpu.memref_slice %arg22[%dma_start3A_174, %dma_start3A_175] : memref<5120x128xf32, #tpu.memory_space<vmem_shared>> -> memref<5120x128xf32, #tpu.memory_space<vmem_shared>>
      tpu.enqueue_indirect_dma source(%arg16 : memref<64x128xf32, #tpu.memory_space<vmem>>) target(%dma_start3A_176 : memref<5120x128xf32, #tpu.memory_space<vmem_shared>>) offsets(%arg9 : memref<64xi32, #tpu.memory_space<vmem>>) semaphore(%arg27 : memref<!tpu.dma_semaphore, #tpu.memory_space<semaphore_mem>>) {add = true}
      %get3A = arith.constant 0 : index
      %get3A_177 = tpu.vector_load %arg9[%get3A] {strides = array<i32>} : memref<64xi32, #tpu.memory_space<vmem>>, vector<16xi32>,
      tpu.vector_store_idx %arg20[%get3A_177], %broadcast_in_dim3A_29 {add = true} : memref<5120xf32, #tpu.memory_space<vmem>>[vector<16xi32>], vector<16xf32>,
      %get3A_178 = arith.constant 16 : index
      %get3A_179 = tpu.vector_load %arg9[%get3A_178] {strides = array<i32>} : memref<64xi32, #tpu.memory_space<vmem>>, vector<16xi32>,
      tpu.vector_store_idx %arg20[%get3A_179], %broadcast_in_dim3A_29 {add = true} : memref<5120xf32, #tpu.memory_space<vmem>>[vector<16xi32>], vector<16xf32>,
      %get3A_180 = arith.constant 32 : index
      %get3A_181 = tpu.vector_load %arg9[%get3A_180] {strides = array<i32>} : memref<64xi32, #tpu.memory_space<vmem>>, vector<16xi32>,
      tpu.vector_store_idx %arg20[%get3A_181], %broadcast_in_dim3A_29 {add = true} : memref<5120xf32, #tpu.memory_space<vmem>>[vector<16xi32>], vector<16xf32>,
      %get3A_182 = arith.constant 48 : index
      %get3A_183 = tpu.vector_load %arg9[%get3A_182] {strides = array<i32>} : memref<64xi32, #tpu.memory_space<vmem>>, vector<16xi32>,
      tpu.vector_store_idx %arg20[%get3A_183], %broadcast_in_dim3A_29 {add = true} : memref<5120xf32, #tpu.memory_space<vmem>>[vector<16xi32>], vector<16xf32>,
      %dma_wait3A_184 = arith.constant 0 : i32
      %dma_wait3A_185 = arith.constant 0 : i32
      %dma_wait3A_186 = tpu.memref_slice %arg2[%dma_wait3A_184, %dma_wait3A_185] : memref<10000x128xf32, #tpu.memory_space<hbm>> -> memref<10000x128xf32, #tpu.memory_space<hbm>>
      tpu.wait_indirect_dma semaphore(%arg24 : memref<!tpu.dma_semaphore, #tpu.memory_space<semaphore_mem>>) src(%dma_wait3A_186 : memref<10000x128xf32, #tpu.memory_space<hbm>>) dst(%arg17 : memref<64x128xf32, #tpu.memory_space<vmem>>)
      %dma_start3A_187 = arith.constant 0 : i32
      %dma_start3A_188 = arith.constant 0 : i32
      %dma_start3A_189 = tpu.memref_slice %arg22[%dma_start3A_187, %dma_start3A_188] : memref<5120x128xf32, #tpu.memory_space<vmem_shared>> -> memref<5120x128xf32, #tpu.memory_space<vmem_shared>>
      tpu.enqueue_indirect_dma source(%arg17 : memref<64x128xf32, #tpu.memory_space<vmem>>) target(%dma_start3A_189 : memref<5120x128xf32, #tpu.memory_space<vmem_shared>>) offsets(%arg11 : memref<64xi32, #tpu.memory_space<vmem>>) semaphore(%arg28 : memref<!tpu.dma_semaphore, #tpu.memory_space<semaphore_mem>>) {add = true}
      %get3A_190 = arith.constant 0 : index
      %get3A_191 = tpu.vector_load %arg11[%get3A_190] {strides = array<i32>} : memref<64xi32, #tpu.memory_space<vmem>>, vector<16xi32>,
      tpu.vector_store_idx %arg20[%get3A_191], %broadcast_in_dim3A_29 {add = true} : memref<5120xf32, #tpu.memory_space<vmem>>[vector<16xi32>], vector<16xf32>,
      %get3A_192 = arith.constant 16 : index
      %get3A_193 = tpu.vector_load %arg11[%get3A_192] {strides = array<i32>} : memref<64xi32, #tpu.memory_space<vmem>>, vector<16xi32>,
      tpu.vector_store_idx %arg20[%get3A_193], %broadcast_in_dim3A_29 {add = true} : memref<5120xf32, #tpu.memory_space<vmem>>[vector<16xi32>], vector<16xf32>,
      %get3A_194 = arith.constant 32 : index
      %get3A_195 = tpu.vector_load %arg11[%get3A_194] {strides = array<i32>} : memref<64xi32, #tpu.memory_space<vmem>>, vector<16xi32>,
      tpu.vector_store_idx %arg20[%get3A_195], %broadcast_in_dim3A_29 {add = true} : memref<5120xf32, #tpu.memory_space<vmem>>[vector<16xi32>], vector<16xf32>,
      %get3A_196 = arith.constant 48 : index
      %get3A_197 = tpu.vector_load %arg11[%get3A_196] {strides = array<i32>} : memref<64xi32, #tpu.memory_space<vmem>>, vector<16xi32>,
      tpu.vector_store_idx %arg20[%get3A_197], %broadcast_in_dim3A_29 {add = true} : memref<5120xf32, #tpu.memory_space<vmem>>[vector<16xi32>], vector<16xf32>,
      %dma_wait3A_198 = arith.constant 0 : i32
      %dma_wait3A_199 = arith.constant 0 : i32
      %dma_wait3A_200 = tpu.memref_slice %arg2[%dma_wait3A_198, %dma_wait3A_199] : memref<10000x128xf32, #tpu.memory_space<hbm>> -> memref<10000x128xf32, #tpu.memory_space<hbm>>
      tpu.wait_indirect_dma semaphore(%arg25 : memref<!tpu.dma_semaphore, #tpu.memory_space<semaphore_mem>>) src(%dma_wait3A_200 : memref<10000x128xf32, #tpu.memory_space<hbm>>) dst(%arg18 : memref<64x128xf32, #tpu.memory_space<vmem>>)
      %dma_start3A_201 = arith.constant 0 : i32
      %dma_start3A_202 = arith.constant 0 : i32
      %dma_start3A_203 = tpu.memref_slice %arg22[%dma_start3A_201, %dma_start3A_202] : memref<5120x128xf32, #tpu.memory_space<vmem_shared>> -> memref<5120x128xf32, #tpu.memory_space<vmem_shared>>
      tpu.enqueue_indirect_dma source(%arg18 : memref<64x128xf32, #tpu.memory_space<vmem>>) target(%dma_start3A_203 : memref<5120x128xf32, #tpu.memory_space<vmem_shared>>) offsets(%arg13 : memref<64xi32, #tpu.memory_space<vmem>>) semaphore(%arg29 : memref<!tpu.dma_semaphore, #tpu.memory_space<semaphore_mem>>) {add = true}
      %get3A_204 = arith.constant 0 : index
      %get3A_205 = tpu.vector_load %arg13[%get3A_204] {strides = array<i32>} : memref<64xi32, #tpu.memory_space<vmem>>, vector<16xi32>,
      tpu.vector_store_idx %arg20[%get3A_205], %broadcast_in_dim3A_29 {add = true} : memref<5120xf32, #tpu.memory_space<vmem>>[vector<16xi32>], vector<16xf32>,
      %get3A_206 = arith.constant 16 : index
      %get3A_207 = tpu.vector_load %arg13[%get3A_206] {strides = array<i32>} : memref<64xi32, #tpu.memory_space<vmem>>, vector<16xi32>,
      tpu.vector_store_idx %arg20[%get3A_207], %broadcast_in_dim3A_29 {add = true} : memref<5120xf32, #tpu.memory_space<vmem>>[vector<16xi32>], vector<16xf32>,
      %get3A_208 = arith.constant 32 : index
      %get3A_209 = tpu.vector_load %arg13[%get3A_208] {strides = array<i32>} : memref<64xi32, #tpu.memory_space<vmem>>, vector<16xi32>,
      tpu.vector_store_idx %arg20[%get3A_209], %broadcast_in_dim3A_29 {add = true} : memref<5120xf32, #tpu.memory_space<vmem>>[vector<16xi32>], vector<16xf32>,
      %get3A_210 = arith.constant 48 : index
      %get3A_211 = tpu.vector_load %arg13[%get3A_210] {strides = array<i32>} : memref<64xi32, #tpu.memory_space<vmem>>, vector<16xi32>,
      tpu.vector_store_idx %arg20[%get3A_211], %broadcast_in_dim3A_29 {add = true} : memref<5120xf32, #tpu.memory_space<vmem>>[vector<16xi32>], vector<16xf32>,
      %dma_wait3A_212 = arith.constant 0 : i32
      %dma_wait3A_213 = arith.constant 0 : i32
      %dma_wait3A_214 = tpu.memref_slice %arg2[%dma_wait3A_212, %dma_wait3A_213] : memref<10000x128xf32, #tpu.memory_space<hbm>> -> memref<10000x128xf32, #tpu.memory_space<hbm>>
      tpu.wait_indirect_dma semaphore(%arg26 : memref<!tpu.dma_semaphore, #tpu.memory_space<semaphore_mem>>) src(%dma_wait3A_214 : memref<10000x128xf32, #tpu.memory_space<hbm>>) dst(%arg19 : memref<64x128xf32, #tpu.memory_space<vmem>>)
      %dma_start3A_215 = arith.constant 0 : i32
      %dma_start3A_216 = arith.constant 0 : i32
      %dma_start3A_217 = tpu.memref_slice %arg22[%dma_start3A_215, %dma_start3A_216] : memref<5120x128xf32, #tpu.memory_space<vmem_shared>> -> memref<5120x128xf32, #tpu.memory_space<vmem_shared>>
      tpu.enqueue_indirect_dma source(%arg19 : memref<64x128xf32, #tpu.memory_space<vmem>>) target(%dma_start3A_217 : memref<5120x128xf32, #tpu.memory_space<vmem_shared>>) offsets(%arg15 : memref<64xi32, #tpu.memory_space<vmem>>) semaphore(%arg30 : memref<!tpu.dma_semaphore, #tpu.memory_space<semaphore_mem>>) {add = true}
      %get3A_218 = arith.constant 0 : index
      %get3A_219 = tpu.vector_load %arg15[%get3A_218] {strides = array<i32>} : memref<64xi32, #tpu.memory_space<vmem>>, vector<16xi32>,
      tpu.vector_store_idx %arg20[%get3A_219], %broadcast_in_dim3A_29 {add = true} : memref<5120xf32, #tpu.memory_space<vmem>>[vector<16xi32>], vector<16xf32>,
      %get3A_220 = arith.constant 16 : index
      %get3A_221 = tpu.vector_load %arg15[%get3A_220] {strides = array<i32>} : memref<64xi32, #tpu.memory_space<vmem>>, vector<16xi32>,
      tpu.vector_store_idx %arg20[%get3A_221], %broadcast_in_dim3A_29 {add = true} : memref<5120xf32, #tpu.memory_space<vmem>>[vector<16xi32>], vector<16xf32>,
      %get3A_222 = arith.constant 32 : index
      %get3A_223 = tpu.vector_load %arg15[%get3A_222] {strides = array<i32>} : memref<64xi32, #tpu.memory_space<vmem>>, vector<16xi32>,
      tpu.vector_store_idx %arg20[%get3A_223], %broadcast_in_dim3A_29 {add = true} : memref<5120xf32, #tpu.memory_space<vmem>>[vector<16xi32>], vector<16xf32>,
      %get3A_224 = arith.constant 48 : index
      %get3A_225 = tpu.vector_load %arg15[%get3A_224] {strides = array<i32>} : memref<64xi32, #tpu.memory_space<vmem>>, vector<16xi32>,
      tpu.vector_store_idx %arg20[%get3A_225], %broadcast_in_dim3A_29 {add = true} : memref<5120xf32, #tpu.memory_space<vmem>>[vector<16xi32>], vector<16xf32>,
      %dma_wait3A_226 = arith.constant 0 : i32
      %dma_wait3A_227 = arith.constant 0 : i32
      %dma_wait3A_228 = tpu.memref_slice %arg22[%dma_wait3A_226, %dma_wait3A_227] : memref<5120x128xf32, #tpu.memory_space<vmem_shared>> -> memref<5120x128xf32, #tpu.memory_space<vmem_shared>>
      tpu.wait_indirect_dma semaphore(%arg27 : memref<!tpu.dma_semaphore, #tpu.memory_space<semaphore_mem>>) src(%arg16 : memref<64x128xf32, #tpu.memory_space<vmem>>) dst(%dma_wait3A_228 : memref<5120x128xf32, #tpu.memory_space<vmem_shared>>)
      %dma_wait3A_229 = arith.constant 0 : i32
      %dma_wait3A_230 = arith.constant 0 : i32
      %dma_wait3A_231 = tpu.memref_slice %arg22[%dma_wait3A_229, %dma_wait3A_230] : memref<5120x128xf32, #tpu.memory_space<vmem_shared>> -> memref<5120x128xf32, #tpu.memory_space<vmem_shared>>
      tpu.wait_indirect_dma semaphore(%arg28 : memref<!tpu.dma_semaphore, #tpu.memory_space<semaphore_mem>>) src(%arg17 : memref<64x128xf32, #tpu.memory_space<vmem>>) dst(%dma_wait3A_231 : memref<5120x128xf32, #tpu.memory_space<vmem_shared>>)
      %dma_wait3A_232 = arith.constant 0 : i32
      %dma_wait3A_233 = arith.constant 0 : i32
      %dma_wait3A_234 = tpu.memref_slice %arg22[%dma_wait3A_232, %dma_wait3A_233] : memref<5120x128xf32, #tpu.memory_space<vmem_shared>> -> memref<5120x128xf32, #tpu.memory_space<vmem_shared>>
      tpu.wait_indirect_dma semaphore(%arg29 : memref<!tpu.dma_semaphore, #tpu.memory_space<semaphore_mem>>) src(%arg18 : memref<64x128xf32, #tpu.memory_space<vmem>>) dst(%dma_wait3A_234 : memref<5120x128xf32, #tpu.memory_space<vmem_shared>>)
      %dma_wait3A_235 = arith.constant 0 : i32
      %dma_wait3A_236 = arith.constant 0 : i32
      %dma_wait3A_237 = tpu.memref_slice %arg22[%dma_wait3A_235, %dma_wait3A_236] : memref<5120x128xf32, #tpu.memory_space<vmem_shared>> -> memref<5120x128xf32, #tpu.memory_space<vmem_shared>>
      tpu.wait_indirect_dma semaphore(%arg30 : memref<!tpu.dma_semaphore, #tpu.memory_space<semaphore_mem>>) src(%arg19 : memref<64x128xf32, #tpu.memory_space<vmem>>) dst(%dma_wait3A_237 : memref<5120x128xf32, #tpu.memory_space<vmem_shared>>)
    } else {
    }
    %barrier3A_37 = arith.constant 0 : index
    tpu.barrier barrier_id(%barrier3A_37)
    "tpu.region"() ({
      %run_scoped3A = tpu.sem_alloc : memref<!tpu.dma_semaphore, #tpu.memory_space<semaphore_mem>>
      %dma_start3A = arith.constant 0 : i32
      %dma_start3A_38 = tpu.memref_slice %arg6[%arg0, %mul3A_7, %dma_start3A] : memref<2x5120x128xf32, #tpu.memory_space<hbm>> -> memref<1x320x128xf32, #tpu.memory_space<hbm>>
      %dma_start3A_39 = tpu.memref_squeeze %dma_start3A_38 : memref<1x320x128xf32, #tpu.memory_space<hbm>> -> memref<320x128xf32, #tpu.memory_space<hbm>>
      %dma_start3A_40 = arith.constant 0 : i32
      %dma_start3A_41 = tpu.memref_slice %arg22[%mul3A_7, %dma_start3A_40] : memref<5120x128xf32, #tpu.memory_space<vmem_shared>> -> memref<320x128xf32, #tpu.memory_space<vmem_shared>>
      tpu.enqueue_dma source(%dma_start3A_41 : memref<320x128xf32, #tpu.memory_space<vmem_shared>>) target(%dma_start3A_39 : memref<320x128xf32, #tpu.memory_space<hbm>>) target_semaphore(%run_scoped3A : memref<!tpu.dma_semaphore, #tpu.memory_space<semaphore_mem>>)
      %dma_wait3A = arith.constant 0 : i32
      %dma_wait3A_42 = tpu.memref_slice %arg6[%arg0, %mul3A_7, %dma_wait3A] : memref<2x5120x128xf32, #tpu.memory_space<hbm>> -> memref<1x320x128xf32, #tpu.memory_space<hbm>>
      %dma_wait3A_43 = tpu.memref_squeeze %dma_wait3A_42 : memref<1x320x128xf32, #tpu.memory_space<hbm>> -> memref<320x128xf32, #tpu.memory_space<hbm>>
      %dma_wait3A_44 = arith.constant 0 : i32
      %dma_wait3A_45 = tpu.memref_slice %arg22[%mul3A_7, %dma_wait3A_44] : memref<5120x128xf32, #tpu.memory_space<vmem_shared>> -> memref<320x128xf32, #tpu.memory_space<vmem_shared>>
      tpu.wait_dma2 semaphore(%run_scoped3A : memref<!tpu.dma_semaphore, #tpu.memory_space<semaphore_mem>>) src(%dma_wait3A_45 : memref<320x128xf32, #tpu.memory_space<vmem_shared>>) dst(%dma_wait3A_43 : memref<320x128xf32, #tpu.memory_space<hbm>>)
      tpu.yield
    }) : () -> ()
    "tpu.region"() ({
      %run_scoped3A = tpu.sem_alloc : memref<!tpu.dma_semaphore, #tpu.memory_space<semaphore_mem>>
      %dma_start3A = arith.constant 0 : i32
      %dma_start3A_38 = tpu.memref_slice %arg7[%add3A, %dma_start3A] : memref<32x5120xf32, #tpu.memory_space<hbm>> -> memref<1x5120xf32, #tpu.memory_space<hbm>>
      %dma_start3A_39 = tpu.memref_squeeze %dma_start3A_38 : memref<1x5120xf32, #tpu.memory_space<hbm>> -> memref<5120xf32, #tpu.memory_space<hbm>>
      %dma_start3A_40 = arith.constant 0 : i32
      %dma_start3A_41 = tpu.memref_slice %arg7[%add3A, %dma_start3A_40] : memref<32x5120xf32, #tpu.memory_space<hbm>> -> memref<1x5120xf32, #tpu.memory_space<hbm>>
      %dma_start3A_42 = tpu.memref_squeeze %dma_start3A_41 : memref<1x5120xf32, #tpu.memory_space<hbm>> -> memref<5120xf32, #tpu.memory_space<hbm>>
      tpu.enqueue_dma source(%arg20 : memref<5120xf32, #tpu.memory_space<vmem>>) target(%dma_start3A_42 : memref<5120xf32, #tpu.memory_space<hbm>>) target_semaphore(%run_scoped3A : memref<!tpu.dma_semaphore, #tpu.memory_space<semaphore_mem>>)
      %dma_wait3A = arith.constant 0 : i32
      %dma_wait3A_43 = tpu.memref_slice %arg7[%add3A, %dma_wait3A] : memref<32x5120xf32, #tpu.memory_space<hbm>> -> memref<1x5120xf32, #tpu.memory_space<hbm>>
      %dma_wait3A_44 = tpu.memref_squeeze %dma_wait3A_43 : memref<1x5120xf32, #tpu.memory_space<hbm>> -> memref<5120xf32, #tpu.memory_space<hbm>>
      %dma_wait3A_45 = arith.constant 0 : i32
      %dma_wait3A_46 = tpu.memref_slice %arg7[%add3A, %dma_wait3A_45] : memref<32x5120xf32, #tpu.memory_space<hbm>> -> memref<1x5120xf32, #tpu.memory_space<hbm>>
      %dma_wait3A_47 = tpu.memref_squeeze %dma_wait3A_46 : memref<1x5120xf32, #tpu.memory_space<hbm>> -> memref<5120xf32, #tpu.memory_space<hbm>>
      tpu.wait_dma2 semaphore(%run_scoped3A : memref<!tpu.dma_semaphore, #tpu.memory_space<semaphore_mem>>) src(%arg20 : memref<5120xf32, #tpu.memory_space<vmem>>) dst(%dma_wait3A_47 : memref<5120xf32, #tpu.memory_space<hbm>>)
      tpu.yield
    }) : () -> ()
    return
  }
}

</mosaic_0001>

<sc_bundles>
// kernel: _sc_segment_sum.3.cloned.1.call-start
scs
__scs_entry_jumppad:
0x0: {  	(pc) =	sbr.rel $0x88, $3  }
0x1: {  	(tag) =	ssettag $0x0;
	lr =	simm.s32 $0x1  }
0x2: {  	[smem:$0x3F9D] =	sst lr;
	_ =	strace $0xD0000000  }
0x3: {  	_ = 	snop  }
0x4: {  	_ = 	snop  }
0x5: {  	_ = 	snop  }
0x6: {  	_ = 	snop  }
0x7: {  	_ = 	snop  }
__scs_overlays_trampoline_lowered:
0x8: {  	[smem:$0x3FAC] =	sst s0  }
0x9: {  	[smem:$0x3FAD] =	sst s1  }
0xa: {  	[smem:$0x3FAE] =	sst s2  }
0xb: {  	[smem:$0x3FAF] =	sst s3  }
0xc: {  	[smem:$0x3FB0] =	sst s4  }
0xd: {  	[smem:$0x3FB1] =	sst s5  }
0xe: {  	[smem:$0x3FB2] =	sst s6  }
0xf: {  	[smem:$0x3FB3] =	sst s7  }
0x10: {  	[smem:$0x3FB4] =	sst s8  }
0x11: {  	[smem:$0x3FB5] =	sst s9;
	s0 =	simm.s32 @!p0 $0x0  }
0x12: {  	s1 =	sld [smem:$0x3F9B];
	s0 =	simm.s32 @p0 $0x1  }
0x13: {  	[smem:$0x3FB6] =	sst s0;
	s0 =	simm.s32 @!p1 $0x0  }
0x14: {  	s2 =	sld [smem:$0x3F9A];
	s0 =	simm.s32 @p1 $0x1  }
0x15: {  	[smem:$0x3FB7] =	sst s0;
	s0 =	simm.s32 @!p2 $0x0  }
0x16: {  	s3 =	sld [smem:$0x3FDB];
	s0 =	simm.s32 @p2 $0x1  }
0x17: {  	s4 =	simm.s32 $0x1BF5;
	[smem:$0x3FB9] =	sst s0  }
0x18: {  	s0 =	sld [smem:$0x3F9C];
	_ =	swait.ge [sflag:s4], $0x0  }
0x19: {  	s7 =	sld [smem:$0x3F9D]  }
0x1a: {  	s8 =	sadd.s32 $0xFFFFE003, lr  }
0x1b: {  	s9 =	sadd.s32 $0xFFFFFEF7, lr;
	s5 =	simm.s32 $0xFFFFFFFF;
	p2 =	slt.u32 s8, $0xFFFFF086  }
0x1c: {  	p1 =	slt.u32 s9, $0xF7A;
	s5 =	simm.s32 @!p2 $0x0  }
0x1d: {  	s5 =	simm.s32 @p1 $0x1;
	p0 =	seq.s32 s7, s2  }
0x1e: {  	s7 =	smul.u32 @!p0 $0xF7A, s2;
	p2 =	seq.s32 @!p0 s5, $0x0  }
0x1f: {  	s9 =	smul.u32 $0xF7A, s1;
	s8 =	simm.s32 @!p0 $0x1BF5;
	p2 =	por !p2, p0  }
0x20: {  	[sflag:s8] =	ssyncset.s32 @!p0 $0xFFFFF086;
	s6 =	sadd.s32 @!p0 s3, s7;
	s7 =	simm.s32 @!p0 $0x108  }
0x21: {  	s3 =	sadd.s32 s3, s9;
	s6 =	sadd.s32 @!p0 $0x88, s6;
	s7 =	simm.s32 @p2 $0x1082  }
0x22: {  	[simem:s7], [sflag:s8] =	dma.local @!p0 [hbm:s6], $0xF7A  }
0x23: {  	s9 =	sor.u32 $0xD0000000, s2;
	s6 =	simm.s32 $0x108;
	_ =	swait.ge @!p0 [sflag:s8], $0x0  }
0x24: {  	s3 =	sadd.s32 $0x88, s3;
	s6 =	simm.s32 @!p1 $0x1082;
	[sflag:s4] =	ssyncset.s32 $0xFFFFF086  }
0x25: {  	[simem:s6], [sflag:s4] =	dma.local [hbm:s3], $0xF7A  }
0x26: {  	[smem:$0x3F9D] =	sst s1;
	(tag) =	ssettag s2;
	_ =	strace s9  }
0x27: {  	s1 =	sld [smem:$0x3FAD]  }
0x28: {  	s2 =	sld [smem:$0x3FAE]  }
0x29: {  	s4 =	sld [smem:$0x3FB0]  }
0x2a: {  	p0 =	seq.s32 s5, $0x0;
	s5 =	sld [smem:$0x3FB1]  }
0x2b: {  	s6 =	sld [smem:$0x3FB2]  }
0x2c: {  	s7 =	sld [smem:$0x3FB3]  }
0x2d: {  	s3 =	simm.s32 $0x108;
	s8 =	sld [smem:$0x3FB4]  }
0x2e: {  	s3 =	simm.s32 @!p0 $0x1082;
	s9 =	sld [smem:$0x3FB5]  }
0x2f: {  	lr =	sadd.s32 s0, s3;
	s0 =	sld [smem:$0x3FAC]  }
0x30: {  	s3 =	sld [smem:$0x3FAF]  }
0x31: {  	[smem:$0x3FB8] =	sst s10  }
0x32: {  	s10 =	sld [smem:$0x3FB6];
	_ =	sdelay $0x3  }
0x33: {  	p0 =	seq.s32 s10, $0x1;
	s10 =	sld [smem:$0x3FB8];
	_ =	sdelay $0x3  }
0x34: {  	[smem:$0x3FB8] =	sst s10  }
0x35: {  	s10 =	sld [smem:$0x3FB7];
	_ =	sdelay $0x3  }
0x36: {  	p1 =	seq.s32 s10, $0x1;
	s10 =	sld [smem:$0x3FB8];
	_ =	sdelay $0x3  }
0x37: {  	[smem:$0x3FB8] =	sst s10  }
0x38: {  	s10 =	sld [smem:$0x3FB9]  }
0x39: {  	_ = 	snop;
	(pc) =	sbr.ind lr, $3  }
0x3a: {  	_ = 	snop  }
0x3b: {  	_ = 	snop  }
0x3c: {  	p2 =	seq.s32 s10, $0x1;
	s10 =	sld [smem:$0x3FB8]  }
0x3d: {  	_ =	shalt  }
0x3e: {  	_ =	shalt  }
0x3f: {  	_ =	shalt  }
0x40: {  	_ =	shalt  }
0x41: {  	_ =	shalt  }
0x42: {  	_ =	shalt  }
0x43: {  	_ =	shalt  }
0x44: {  	_ =	shalt  }
0x45: {  	_ =	shalt  }
0x46: {  	_ =	shalt  }
0x47: {  	_ =	shalt  }
0x48: {  	_ =	shalt  }
0x49: {  	_ =	shalt  }
0x4a: {  	_ =	shalt  }
0x4b: {  	_ =	shalt  }
0x4c: {  	_ =	shalt  }
0x4d: {  	_ =	shalt  }
0x4e: {  	_ =	shalt  }
0x4f: {  	_ =	shalt  }
0x50: {  	_ =	shalt  }
0x51: {  	_ =	shalt  }
0x52: {  	_ =	shalt  }
0x53: {  	_ =	shalt  }
0x54: {  	_ =	shalt  }
0x55: {  	_ =	shalt  }
0x56: {  	_ =	shalt  }
0x57: {  	_ =	shalt  }
0x58: {  	_ =	shalt  }
0x59: {  	_ =	shalt  }
0x5a: {  	_ =	shalt  }
0x5b: {  	_ =	shalt  }
0x5c: {  	_ =	shalt  }
0x5d: {  	_ =	shalt  }
0x5e: {  	_ =	shalt  }
0x5f: {  	_ =	shalt  }
0x60: {  	_ =	shalt  }
0x61: {  	_ =	shalt  }
0x62: {  	_ =	shalt  }
0x63: {  	_ =	shalt  }
0x64: {  	_ =	shalt  }
0x65: {  	_ =	shalt  }
0x66: {  	_ =	shalt  }
0x67: {  	_ =	shalt  }
0x68: {  	_ =	shalt  }
0x69: {  	_ =	shalt  }
0x6a: {  	_ =	shalt  }
0x6b: {  	_ =	shalt  }
0x6c: {  	_ =	shalt  }
0x6d: {  	_ =	shalt  }
0x6e: {  	_ =	shalt  }
0x6f: {  	_ =	shalt  }
0x70: {  	_ =	shalt  }
0x71: {  	_ =	shalt  }
0x72: {  	_ =	shalt  }
0x73: {  	_ =	shalt  }
0x74: {  	_ =	shalt  }
0x75: {  	_ =	shalt  }
0x76: {  	_ =	shalt  }
0x77: {  	_ =	shalt  }
0x78: {  	_ =	shalt  }
0x79: {  	_ =	shalt  }
0x7a: {  	_ =	shalt  }
0x7b: {  	_ =	shalt  }
0x7c: {  	_ =	shalt  }
0x7d: {  	_ =	shalt  }
0x7e: {  	_ =	shalt  }
0x7f: {  	_ =	shalt  }
0x80: {  	_ =	shalt  }
0x81: {  	_ =	shalt  }
0x82: {  	_ =	shalt  }
0x83: {  	_ =	shalt  }
0x84: {  	_ =	shalt  }
0x85: {  	_ =	shalt  }
0x86: {  	_ =	shalt  }
0x87: {  	_ =	shalt  }
.Lfunc_end0:
.L_simem_size_0:
called_computation_lowered:
.L_overlay_start_0:
0x88: {  	s2 =	sld [smem:$0x3FD9]  }
0x89: {  	s3 =	sld [smem:$0x3FFE];
	_ =	sdelay $0x1  }
0x8a: {  	s1 =	srdreg.scid  }
0x8b: {  	s0 =	sand.u32 $0x1, s1  }
0x8c: {  	s14 =	sshll.u32 s0, $0xA;
	s2 =	sadd.s32 s3, s2  }
0x8d: {  	s2 =	sadd.s32 s2, s14  }
0x8e: {  	[smem:$0x3FC4] =	sst s2  }
0x8f: {  	_ = 	snop  }
0x90: {  	s2 =	sld [smem:$0x3FD0];
	_ =	sdelay $0x1  }
0x91: {  	s15 =	sld [smem:$0x3FC9]  }
0x92: {  	s5 =	simm.s32 $0xA;
	s6 =	simm.s32 $0x10;
	s4 =	sld [smem:$0x3FC6]  }
0x93: {  	[smem:s6], [sflag:s5] =	dma.local [hbm:s2], $0x1  }
0x94: {  	_ =	swait.eq [sflag:s5], $0x1  }
0x95: {  	[sflag:s5] =	ssyncset.done $0x0  }
0x96: {  	s16 =	sld [smem:$0x10];
	[sflag:s5] =	ssyncadd.s32 $0xFFFFFFFF  }
0x97: {  	s17 =	sld [smem:$0x11];
	(tm) =	ssettm $0x1  }
0x98: {  	s18 =	sld [smem:$0x3FFB];
	_ =	sdelay $0x3  }
0x99: {  	_ =	strace s18  }
0x9a: {  	s6 =	sld [smem:$0x3FFC];
	_ =	sdelay $0x3  }
0x9b: {  	_ =	strace s6  }
0x9c: {  	s6 =	sld [smem:$0x3FFD];
	_ =	sdelay $0x3  }
0x9d: {  	_ =	strace s6  }
0x9e: {  	_ =	strace $0x8FFFFFFF  }
0x9f: {  	s19 =	sld [smem:$0x3FDB];
	_ =	sdelay $0x1  }
0xa0: {  	s7 =	simm.s32 $_scs_section_size  }
0xa1: {  	s8 =	simm.s32 $_size__tile_overlayer_lowered;
	s9 =	simm.s32 $_tile_overlayer_lowered  }
0xa2: {  	s22 =	simm.s32 $0x1BFF;
	s21 =	sshll.u32 s9, $0x1;
	s6 =	sadd.s32 s7, s19  }
0xa3: {  	s10 =	simm.s32 $0x0;
	s20 =	sshll.u32 s8, $0x1;
	s8 =	sadd.s32 s21, s6  }
0xa4: {  	[timem:s10], [sflag:s22] =	dma.local [hbm:s8], s20  }
0xa5: {  	_ =	swait.ge [sflag:s22], s20  }
0xa6: {  	s7 =	ssub.s32 $0x0, s20;
	[sflag:s22] =	ssyncset.done $0x0  }
0xa7: {  	[sflag:s22] =	ssyncadd.s32 s7;
	_ =	sdelay $0x1  }
0xa8: {  	s23 =	simm.s32 $0x1B8B  }
0xa9: {  	_ =	swait.ge [sflag:s23], $0x1  }
0xaa: {  	[sflag:s23] =	ssyncset.done $0x0  }
0xab: {  	s25 =	simm.s32 $0x1B8E;
	s24 =	sld [smem:$0x3FFE];
	[sflag:s23] =	ssyncadd.s32 $0xFFFFFFFF  }
0xac: {  	s26 =	simm.s32 $execute0_lowered;
	[smem:$0x3FD2] =	sst s25  }
0xad: {  	s8 =	sshll.u32 s26, $0x1;
	_ =	strace $0x80000046;
	[dreg:$0x1] =	wrdreg $0xFFFFFFFF  }
0xae: {  	s28 =	simm.s32 $_size_execute0_lowered;
	s6 =	sadd.s32 s6, s8;
	[dreg:$0x0] =	wrdreg $0x0  }
0xaf: {  	s8 =	sshll.u32 s28, $0x1;
	[dreg:$0x2] =	wrdreg s6  }
0xb0: {  	[dreg:$0x3] =	wrdreg s8  }
0xb1: {  	[dreg:$0x4] =	wrdreg $0xC0  }
0xb2: {  	_ =	task [dreg:s10], $0x5FFFF  }
0xb3: {  	[dreg:$0x1] =	wrdreg $0xFFFFFFFF  }
0xb4: {  	[dreg:$0x0] =	wrdreg $0x60  }
0xb5: {  	[dreg:$0x2] =	wrdreg s15  }
0xb6: {  	[dreg:$0x3] =	wrdreg s24  }
0xb7: {  	[dreg:$0x4] =	wrdreg s4  }
0xb8: {  	[dreg:$0x5] =	wrdreg s16  }
0xb9: {  	[dreg:$0x6] =	wrdreg s17  }
0xba: {  	[dreg:$0x7] =	wrdreg $0xA8000  }
0xbb: {  	[dreg:$0x8] =	wrdreg $0x9  }
0xbc: {  	_ =	task.clear_ibuf [dreg:s10], $0x9FFFF;
	_ =	strace $0x90000046  }
0xbd: {  	s29 =	simm.s32 $0x9;
	_ =	strace $0x80000048  }
0xbe: {  	_ =	swait.ge [sflag:s29], $0x1  }
0xbf: {  	[sflag:s29] =	ssyncadd.s32 $0xFFFFFFFF  }
0xc0: {  	_ =	strace $0x90000048  }
0xc1: {  	_ =	sfence  }
0xc2: {  	s30 =	sld [smem:$0x0];
	_ =	sdelay $0x2  }
0xc3: {  	s31 =	sshll.u32 s1, $0xD;
	s1 =	sshrl.u32 s1, $0x2  }
0xc4: {  	s3 =	sand.u32 $0x4000, s31;
	s1 =	sadd.s32 s1, s30  }
0xc5: {  	s0 =	sor.u32 s3, s0;
	s1 =	sshll.u32 s1, $0x11  }
0xc6: {  	s0 =	sor.u32 s1, s0  }
0xc7: {  	s0 =	sadd.s32 $0x8F2B, s0  }
0xc8: {  	[sflag:s0] =	ssyncadd.remote.s32 $0x1  }
0xc9: {  	_ =	sfence.sel $0xFFFF  }
0xca: {  	[dreg:$0x0] =	wrdreg $0xFFFFFFFF;
	(pc) =	sbr.abs _section_cstart, $3  }
0xcb: {  	[dreg:$0x1] =	wrdreg $0xFFFFFFFF  }
0xcc: {  	_ =	task.clear_ibuf [dreg:s10], $0x2FFFF;
	_ =	strace $0x9FFFFFFF  }
0xcd: {  	(tm) =	ssettm $0x7FFFFFFF  }
tec
execute0_lowered:
.L_overlay_start_1:
0x0: {  	(tag) =	ssettag $0x1  }
0x1: {  	s1 =	rddreg [dreg:$0x0]  }
0x2: {  	s0 =	rddreg [dreg:$0x1]  }
0x3: {  	s2 =	rddreg [dreg:$0x3]  }
0x4: {  	s5 =	rddreg [dreg:$0x4]  }
0x5: {  	s3 =	rddreg [dreg:$0x5];
	s4 =	simm.s32 $0x0;
	s15 =	stileid.u32  }
0x6: {  	s6 =	srdreg.scid;
	s28 =	simm.s32 $0x6400;
	s10 =	smul.u32 $0x28000, s15  }
0x7: {  	s29 =	simm.s32 $0x1;
	s30 =	simm.s32 $0x8400;
	s11 =	smul.u32 $0xF80, s15  }
0x8: {  	s31 =	simm.s32 $0x2;
	[smem:$0x7FF] =	sst s4;
	s17 =	smul.u32 $0x480, s15  }
0x9: {  	s6 =	sand.u32 $0x1, s6;
	s7 =	sadd.s32 $0x800, s0;
	s19 =	smul.u32 $0xA000, s15  }
0xa: {  	s0 =	sadd.s32 $0x14800, s0;
	s21 =	smul.u32 $0x2400, s15;
	_ =	strace $0x80000047  }
0xb: {  	s8 =	ssub.s32 $0x2, s6;
	s24 =	sshll.u32 s6, $0x4;
	p0 =	seq.s32 s6, $0x1  }
0xc: {  	s6 =	smul.u32 $0xA0000, s6;
	s9 =	sshrl.u32 s8, $0x1;
	s12 =	sadd.s32 s7, s11  }
0xd: {  	s25 =	sadd.s32 s0, s11;
	s26 =	sor.u32 $0x10, s11;
	[dreg:$0x9] =	wrdreg s12  }
0xe: {  	s10 =	sshrl.u32 s10, $0x2;
	[dreg:$0xa] =	wrdreg s25;
	s13 =	sadd.s32 s7, s26  }
0xf: {  	s14 =	sor.u32 $0x20, s11;
	s12 =	sadd.s32 s0, s26;
	[dreg:$0xb] =	wrdreg s13  }
0x10: {  	s11 =	sor.u32 $0x30, s11;
	s16 =	sadd.s32 s7, s14;
	[dreg:$0xc] =	wrdreg s12  }
0x11: {  	s20 =	sadd.s32 $0xF800, s17;
	s18 =	sadd.s32 s7, s11;
	[dreg:$0xd] =	wrdreg s16  }
0x12: {  	s8 =	ssub.s32 s8, s9;
	s11 =	sadd.s32 s0, s11;
	[dreg:$0xf] =	wrdreg s18  }
0x13: {  	s9 =	sor.u32 s15, s24;
	s22 =	sadd.s32 s7, s20;
	[dreg:$0x10] =	wrdreg s11  }
0x14: {  	s6 =	sadd.s32 s19, s6;
	s26 =	sadd.s32 s0, s20;
	[dreg:$0x11] =	wrdreg s22  }
0x15: {  	s25 =	sadd.s32 s17, s7;
	s12 =	sadd.s32 s0, s14;
	[dreg:$0x14] =	wrdreg s26  }
0x16: {  	s9 =	sshrl.u32 s9, $0x3;
	s14 =	sshll.u32 s15, $0x7;
	[dreg:$0x7] =	wrdreg s25  }
0x17: {  	s6 =	sshrl.u32 s6, $0x3;
	s13 =	sadd.s32 s10, s3;
	[dreg:$0xe] =	wrdreg s12  }
0x18: {  	s11 =	sshrl.u32 s21, $0x3;
	s2 =	sadd.s32 s2, s6;
	[dreg:$0x1b] =	wrdreg s13  }
0x19: {  	s10 =	simm.s32 $0x8;
	s18 =	sadd.s32 $0x1000, s13;
	[dreg:$0x12] =	wrdreg s2  }
0x1a: {  	s9 =	smul.u32 $0xA000, s9;
	s19 =	sadd.s32 $0x2000, s13;
	[dreg:$0x1d] =	wrdreg s18  }
0x1b: {  	s14 =	sand.u32 $0x380, s14;
	s20 =	sadd.s32 $0x3000, s13;
	[dreg:$0x1e] =	wrdreg s19  }
0x1c: {  	s24 =	sadd.s32 $0xF810, s11;
	s21 =	sadd.s32 $0x4000, s13;
	[dreg:$0x1f] =	wrdreg s20  }
0x1d: {  	s12 =	sadd.s32 $0xF830, s11;
	s22 =	sadd.s32 $0x5000, s13;
	[smem:$0x7F7] =	sst s21  }
0x1e: {  	s25 =	sadd.s32 $0x8000, s13;
	s26 =	sadd.s32 $0x9000, s13;
	[smem:$0x7F8] =	sst s22  }
0x1f: {  	s6 =	sadd.s32 s0, s24;
	s15 =	sadd.s32 s7, s12;
	[smem:$0x7FB] =	sst s25  }
0x20: {  	s16 =	sadd.s32 s0, s12;
	[smem:$0x7FC] =	sst s26;
	s12 =	simm.s32 $0x80  }
0x21: {  	s18 =	simm.s32 $0x280;
	s19 =	simm.s32 $0x300;
	s20 =	simm.s32 $0x380  }
0x22: {  	s21 =	simm.s32 $0x9;
	s22 =	simm.s32 $0x40;
	[dreg:$0x16] =	wrdreg s6  }
0x23: {  	s25 =	simm.s32 $0x4400;
	s26 =	simm.s32 $0xC;
	[dreg:$0x19] =	wrdreg s15  }
0x24: {  	s9 =	sor.u32 s14, s9;
	[dreg:$0x1a] =	wrdreg s16;
	s15 =	simm.s32 $0x2400  }
0x25: {  	s16 =	simm.s32 $0xB;
	s6 =	simm.s32 $0x0;
	s23 =	sshrl.u32 s9, $0x3  }
0x26: {  	s9 =	sadd.s32 $0xF820, s11;
	[smem:$0x7FD] =	sst s6;
	s2 =	sadd.s32 s5, s23  }
0x27: {  	s11 =	simm.s32 $0x9800;
	s5 =	sadd.s32 s7, s24;
	[dreg:$0x13] =	wrdreg s2  }
0x28: {  	s14 =	sadd.s32 s7, s9;
	s23 =	sadd.s32 $0x6000, s13;
	[dreg:$0x15] =	wrdreg s5  }
0x29: {  	s24 =	sadd.s32 $0x7000, s13;
	s7 =	simm.s32 $0xD;
	[dreg:$0x17] =	wrdreg s14  }
0x2a: {  	s2 =	sadd.s32 s0, s9;
	s0 =	sadd.s32 s17, s0;
	[smem:$0x7F9] =	sst s23  }
.Ltmp0:
0x2b: {  	s17 =	smax.u32 s8, $0x1;
	[smem:$0x7FA] =	sst s24;
	(pc) =	sbr.rel .LBB2_1-.Ltmp0, $4  }
0x2c: {  	s14 =	simm.s32 $0x180;
	s23 =	simm.s32 $0x400;
	[dreg:$0x18] =	wrdreg s2  }
0x2d: {  	s5 =	simm.s32 $0xA;
	s8 =	simm.s32 $0x5;
	[dreg:$0x8] =	wrdreg s0  }
0x2e: {  	s9 =	simm.s32 $0x6;
	s24 =	simm.s32 $0x7;
	[dreg:$0x1c] =	wrdreg s17  }
0x2f: {  	v0 =	vimm.f32 $0.0e+00;
	v1 =	vimm.f32 $1.000000000e+00;
	s17 =	simm.s32 $0x200;
	s0 =	simm.s32 $0x3;
	s2 =	simm.s32 $0x4  }
.LBB2_8:
0x30: {  	_ =	swait.ge [sflag:s21], $0x80  }
0x31: {  	[sflag:s21] =	ssyncset.done $0x0  }
0x32: {  	[sflag:s21] =	ssyncadd.s32 $0xFFFFFF80  }
0x33: {  	_ =	swait.ge [sflag:s21], $0x80  }
0x34: {  	[sflag:s21] =	ssyncset.done $0x0  }
0x35: {  	[sflag:s21] =	ssyncadd.s32 $0xFFFFFF80  }
0x36: {  	[tilespmem:s23], [sflag:$0x1] =	stream.indirect.gather [hbm4b:s1+s22], $0x80, s4, s22, $0xb8;
	[tilespmem:$0x14800] =	vst v63  }
0x37: {  	_ =	swait.ge [sflag:s5], $0x80  }
0x38: {  	[sflag:s5] =	ssyncset.done $0x0  }
0x39: {  	[sflag:s5] =	ssyncadd.s32 $0xFFFFFF80  }
0x3a: {  	_ =	swait.ge [sflag:s5], $0x80  }
0x3b: {  	[sflag:s5] =	ssyncset.done $0x0  }
0x3c: {  	[sflag:s5] =	ssyncadd.s32 $0xFFFFFF80  }
0x3d: {  	[tilespmem:s15], [sflag:$0x2] =	stream.indirect.gather [hbm4b:s1+s22], $0x80, s11, s22, $0xb8;
	[tilespmem:$0x14800] =	vst v63  }
0x3e: {  	_ =	swait.ge [sflag:s16], $0x80  }
0x3f: {  	[sflag:s16] =	ssyncset.done $0x0  }
0x40: {  	[sflag:s16] =	ssyncadd.s32 $0xFFFFFF80  }
0x41: {  	_ =	swait.ge [sflag:s16], $0x80  }
0x42: {  	[sflag:s16] =	ssyncset.done $0x0  }
0x43: {  	[sflag:s16] =	ssyncadd.s32 $0xFFFFFF80  }
0x44: {  	[tilespmem:s25], [sflag:$0x3] =	stream.indirect.gather [hbm4b:s1+s22], $0x80, s17, s22, $0xb8;
	[tilespmem:$0x14800] =	vst v63  }
0x45: {  	_ =	swait.ge [sflag:s26], $0x80  }
0x46: {  	[sflag:s26] =	ssyncset.done $0x0  }
0x47: {  	[sflag:s26] =	ssyncadd.s32 $0xFFFFFF80  }
0x48: {  	_ =	swait.ge [sflag:s26], $0x80  }
0x49: {  	[sflag:s26] =	ssyncset.done $0x0  }
0x4a: {  	[sflag:s26] =	ssyncadd.s32 $0xFFFFFF80  }
0x4b: {  	[tilespmem:s28], [sflag:$0x4] =	stream.indirect.gather [hbm4b:s1+s22], $0x80, s19, s22, $0xb8;
	[tilespmem:$0x14800] =	vst v63  }
0x4c: {  	_ =	swait.ge [sflag:s29], $0x2000  }
0x4d: {  	[sflag:s29] =	ssyncset.done $0x0  }
0x4e: {  	[sflag:s29] =	ssyncadd.s32 $0xFFFFE000  }
0x4f: {  	[spmem:s3] =	stream.indirect.scatter.add.f32 [tilespmem:s23], [sflag:$0x5], $0x80, s12, s22, $0xb8;
	[tilespmem:$0x14800] =	vst v63  }
0x50: {  	v2 =	vld [tilespmem:$0x80];
	_ =	sdelay $0x7  }
0x51: {  	[tilespmem:v2+s30+$0x0] =	vst.idx.add.f32.msk $0xffff, v1  }
0x52: {  	v2 =	vld [tilespmem:$0x90];
	_ =	sdelay $0x7  }
0x53: {  	[tilespmem:v2+s30+$0x0] =	vst.idx.add.f32.msk $0xffff, v1  }
0x54: {  	v2 =	vld [tilespmem:$0xA0];
	_ =	sdelay $0x7  }
0x55: {  	[tilespmem:v2+s30+$0x0] =	vst.idx.add.f32.msk $0xffff, v1  }
0x56: {  	v2 =	vld [tilespmem:$0xB0];
	_ =	sdelay $0x7  }
0x57: {  	[tilespmem:v2+s30+$0x0] =	vst.idx.add.f32.msk $0xffff, v1  }
0x58: {  	_ =	swait.ge [sflag:s31], $0x2000  }
0x59: {  	[sflag:s31] =	ssyncset.done $0x0  }
0x5a: {  	[sflag:s31] =	ssyncadd.s32 $0xFFFFE000  }
0x5b: {  	[spmem:s3] =	stream.indirect.scatter.add.f32 [tilespmem:s15], [sflag:$0x6], $0x80, s14, s22, $0xb8;
	[tilespmem:$0x14800] =	vst v63  }
0x5c: {  	v2 =	vld [tilespmem:$0x180];
	_ =	sdelay $0x7  }
0x5d: {  	[tilespmem:v2+s30+$0x0] =	vst.idx.add.f32.msk $0xffff, v1  }
0x5e: {  	v2 =	vld [tilespmem:$0x190];
	_ =	sdelay $0x7  }
0x5f: {  	[tilespmem:v2+s30+$0x0] =	vst.idx.add.f32.msk $0xffff, v1  }
0x60: {  	v2 =	vld [tilespmem:$0x1A0];
	_ =	sdelay $0x7  }
0x61: {  	[tilespmem:v2+s30+$0x0] =	vst.idx.add.f32.msk $0xffff, v1  }
0x62: {  	v2 =	vld [tilespmem:$0x1B0];
	_ =	sdelay $0x7  }
0x63: {  	[tilespmem:v2+s30+$0x0] =	vst.idx.add.f32.msk $0xffff, v1  }
0x64: {  	_ =	swait.ge [sflag:s0], $0x2000  }
0x65: {  	[sflag:s0] =	ssyncset.done $0x0  }
0x66: {  	[sflag:s0] =	ssyncadd.s32 $0xFFFFE000  }
0x67: {  	[spmem:s3] =	stream.indirect.scatter.add.f32 [tilespmem:s25], [sflag:$0x7], $0x80, s18, s22, $0xb8;
	[tilespmem:$0x14800] =	vst v63  }
0x68: {  	v2 =	vld [tilespmem:$0x280];
	_ =	sdelay $0x7  }
0x69: {  	[tilespmem:v2+s30+$0x0] =	vst.idx.add.f32.msk $0xffff, v1  }
0x6a: {  	v2 =	vld [tilespmem:$0x290];
	_ =	sdelay $0x7  }
0x6b: {  	[tilespmem:v2+s30+$0x0] =	vst.idx.add.f32.msk $0xffff, v1  }
0x6c: {  	v2 =	vld [tilespmem:$0x2A0];
	_ =	sdelay $0x7  }
0x6d: {  	[tilespmem:v2+s30+$0x0] =	vst.idx.add.f32.msk $0xffff, v1  }
0x6e: {  	v2 =	vld [tilespmem:$0x2B0];
	_ =	sdelay $0x7  }
0x6f: {  	[tilespmem:v2+s30+$0x0] =	vst.idx.add.f32.msk $0xffff, v1  }
0x70: {  	_ =	swait.ge [sflag:s2], $0x2000  }
0x71: {  	[sflag:s2] =	ssyncset.done $0x0  }
0x72: {  	[sflag:s2] =	ssyncadd.s32 $0xFFFFE000  }
0x73: {  	[spmem:s3] =	stream.indirect.scatter.add.f32 [tilespmem:s28], [sflag:$0x8], $0x80, s20, s22, $0xb8;
	[tilespmem:$0x14800] =	vst v63  }
0x74: {  	v2 =	vld [tilespmem:$0x380];
	_ =	sdelay $0x7  }
0x75: {  	[tilespmem:v2+s30+$0x0] =	vst.idx.add.f32.msk $0xffff, v1  }
0x76: {  	v2 =	vld [tilespmem:$0x390];
	_ =	sdelay $0x7  }
0x77: {  	[tilespmem:v2+s30+$0x0] =	vst.idx.add.f32.msk $0xffff, v1  }
0x78: {  	v2 =	vld [tilespmem:$0x3A0];
	_ =	sdelay $0x7  }
0x79: {  	[tilespmem:v2+s30+$0x0] =	vst.idx.add.f32.msk $0xffff, v1  }
0x7a: {  	v2 =	vld [tilespmem:$0x3B0];
	_ =	sdelay $0x7  }
0x7b: {  	[tilespmem:v2+s30+$0x0] =	vst.idx.add.f32.msk $0xffff, v1  }
0x7c: {  	_ =	swait.ge [sflag:s8], $0x2000  }
0x7d: {  	[sflag:s8] =	ssyncset.done $0x0  }
0x7e: {  	[sflag:s8] =	ssyncadd.s32 $0xFFFFE000  }
0x7f: {  	_ =	swait.ge [sflag:s9], $0x2000  }
0x80: {  	[sflag:s9] =	ssyncset.done $0x0  }
0x81: {  	[sflag:s9] =	ssyncadd.s32 $0xFFFFE000  }
0x82: {  	_ =	swait.ge [sflag:s24], $0x2000  }
0x83: {  	[sflag:s24] =	ssyncset.done $0x0  }
0x84: {  	[sflag:s24] =	ssyncadd.s32 $0xFFFFE000  }
0x85: {  	_ =	swait.ge [sflag:s10], $0x2000  }
0x86: {  	[sflag:s10] =	ssyncset.done $0x0  }
0x87: {  	[sflag:s10] =	ssyncadd.s32 $0xFFFFE000  }
0x88: {  	s6 =	stileid.u32;
	[bflag:$0x0] =	sbarrier.arrive $0xFFFF  }
0x89: {  	s6 =	sshll.u32 s6, $0x6;
	s13 =	rddreg [dreg:$0x1b]  }
0x8a: {  	s6 =	sor.u32 $0x1C0D, s6;
	s11 =	rddreg [dreg:$0x12];
	s7 =	sshrl.u32 s13, $0x3  }
0x8b: {  	[hbm:s11], [sflag:s6] =	dma.local [spmem:s7], $0x1400  }
0x8c: {  	s7 =	simm.s32 $0xD  }
0x8d: {  	_ =	swait.ge [sflag:s7], $0x1400  }
0x8e: {  	[sflag:s7] =	ssyncset.done $0x0  }
0x8f: {  	s11 =	rddreg [dreg:$0x13];
	[sflag:s7] =	ssyncadd.s32 $0xFFFFEC00  }
0x90: {  	[hbm4b:s11+s12] =	stream.strided.scatter [tilespmem:s30], [sflag:$0xD], $0x1400, s23, s12, $0x38;
	[tilespmem:$0x14800] =	vst v63  }
0x91: {  	_ =	swait.ge [sflag:s7], $0x1400  }
0x92: {  	s6 =	sld [smem:$0x7FD];
	_ =	sdelay $0x2  }
0x93: {  	s11 =	sadd.s32 $0x1, s6;
	s6 =	rddreg [dreg:$0x1c]  }
0x94: {  	p1 =	sne.s32 s11, s6  }
.Ltmp1:
0x95: {  	_ = 	snop;
	(pc) =	sbr.rel @!p1 .LBB2_9-.Ltmp1, $3  }
0x96: {  	_ =	sdelay $0x1  }
0x97: {  	[sflag:s7] =	ssyncset.done $0x0  }
0x98: {  	[sflag:s7] =	ssyncadd.s32 $0xFFFFEC00;
	[smem:$0x7FD] =	sst s11;
	s11 =	simm.s32 $0x9800  }
.LBB2_1:
0x99: {  	s6 =	rddreg [dreg:$0x2]  }
0x9a: {  	[tilespmem:s11], [sflag:$0xD] =	stream.linear.gather [hbm4b:s6+s4], $0x1000, $0x38;
	[tilespmem:$0x14800] =	vst v63  }
0x9b: {  	_ =	swait.ge [sflag:s7], $0x1000  }
0x9c: {  	[sflag:s7] =	ssyncset.done $0x0  }
0x9d: {  	s6 =	simm.s32 $0x40;
	[sflag:s7] =	ssyncadd.s32 $0xFFFFF000;
	s7 =	simm.s32 $0x0  }
.LBB2_2:
0x9e: {  	p1 =	sne.s32 s6, $0x4FC0;
	[tilespmem:s7+$0x8400] =	vst v0;
	s7 =	smov.u32 s6;
	s6 =	sadd.s32 $0x40, s6  }
.Ltmp2:
0x9f: {  	(pc) =	sbr.rel @p1 .LBB2_2-.Ltmp2, $2  }
0xa0: {  	_ =	sdelay $0x2  }
0xa1: {  	s7 =	sshra.s32 s7, $0x2  }
0xa2: {  	[tilespmem:s7+$0x8400] =	vst v0;
	s7 =	simm.s32 $0xD  }
0xa3: {  	[spmem:s13] =	stream.linear.scatter [tilespmem:s11], [sflag:$0xD], $0x1000, $0x38;
	[tilespmem:$0x14800] =	vst v63  }
0xa4: {  	_ =	swait.ge [sflag:s7], $0x1000  }
0xa5: {  	[sflag:s7] =	ssyncset.done $0x0  }
0xa6: {  	s6 =	rddreg [dreg:$0x1d];
	[sflag:s7] =	ssyncadd.s32 $0xFFFFF000  }
0xa7: {  	[spmem:s6] =	stream.linear.scatter [tilespmem:s11], [sflag:$0xD], $0x1000, $0x38;
	[tilespmem:$0x14800] =	vst v63  }
0xa8: {  	_ =	swait.ge [sflag:s7], $0x1000  }
0xa9: {  	[sflag:s7] =	ssyncset.done $0x0  }
0xaa: {  	s13 =	rddreg [dreg:$0x1e];
	[sflag:s7] =	ssyncadd.s32 $0xFFFFF000  }
0xab: {  	[spmem:s13] =	stream.linear.scatter [tilespmem:s11], [sflag:$0xD], $0x1000, $0x38;
	[tilespmem:$0x14800] =	vst v63  }
0xac: {  	_ =	swait.ge [sflag:s7], $0x1000  }
0xad: {  	[sflag:s7] =	ssyncset.done $0x0  }
0xae: {  	s13 =	rddreg [dreg:$0x1f];
	[sflag:s7] =	ssyncadd.s32 $0xFFFFF000  }
0xaf: {  	[spmem:s13] =	stream.linear.scatter [tilespmem:s11], [sflag:$0xD], $0x1000, $0x38;
	[tilespmem:$0x14800] =	vst v63  }
0xb0: {  	_ =	swait.ge [sflag:s7], $0x1000  }
0xb1: {  	s13 =	sld [smem:$0x7F7]  }
0xb2: {  	[sflag:s7] =	ssyncset.done $0x0  }
0xb3: {  	[sflag:s7] =	ssyncadd.s32 $0xFFFFF000  }
0xb4: {  	[spmem:s13] =	stream.linear.scatter [tilespmem:s11], [sflag:$0xD], $0x1000, $0x38;
	[tilespmem:$0x14800] =	vst v63  }
0xb5: {  	_ =	swait.ge [sflag:s7], $0x1000  }
0xb6: {  	s13 =	sld [smem:$0x7F8]  }
0xb7: {  	[sflag:s7] =	ssyncset.done $0x0  }
0xb8: {  	[sflag:s7] =	ssyncadd.s32 $0xFFFFF000  }
0xb9: {  	[spmem:s13] =	stream.linear.scatter [tilespmem:s11], [sflag:$0xD], $0x1000, $0x38;
	[tilespmem:$0x14800] =	vst v63  }
0xba: {  	_ =	swait.ge [sflag:s7], $0x1000  }
0xbb: {  	s13 =	sld [smem:$0x7F9]  }
0xbc: {  	[sflag:s7] =	ssyncset.done $0x0  }
0xbd: {  	[sflag:s7] =	ssyncadd.s32 $0xFFFFF000  }
0xbe: {  	[spmem:s13] =	stream.linear.scatter [tilespmem:s11], [sflag:$0xD], $0x1000, $0x38;
	[tilespmem:$0x14800] =	vst v63  }
0xbf: {  	_ =	swait.ge [sflag:s7], $0x1000  }
0xc0: {  	s13 =	sld [smem:$0x7FA]  }
0xc1: {  	[sflag:s7] =	ssyncset.done $0x0  }
0xc2: {  	[sflag:s7] =	ssyncadd.s32 $0xFFFFF000  }
0xc3: {  	[spmem:s13] =	stream.linear.scatter [tilespmem:s11], [sflag:$0xD], $0x1000, $0x38;
	[tilespmem:$0x14800] =	vst v63  }
0xc4: {  	_ =	swait.ge [sflag:s7], $0x1000  }
0xc5: {  	s13 =	sld [smem:$0x7FB]  }
0xc6: {  	[sflag:s7] =	ssyncset.done $0x0  }
0xc7: {  	[sflag:s7] =	ssyncadd.s32 $0xFFFFF000  }
0xc8: {  	[spmem:s13] =	stream.linear.scatter [tilespmem:s11], [sflag:$0xD], $0x1000, $0x38;
	[tilespmem:$0x14800] =	vst v63  }
0xc9: {  	_ =	swait.ge [sflag:s7], $0x1000  }
0xca: {  	s13 =	sld [smem:$0x7FC]  }
0xcb: {  	[sflag:s7] =	ssyncset.done $0x0  }
0xcc: {  	[sflag:s7] =	ssyncadd.s32 $0xFFFFF000  }
0xcd: {  	[spmem:s13] =	stream.linear.scatter [tilespmem:s11], [sflag:$0xD], $0x1000, $0x38;
	[tilespmem:$0x14800] =	vst v63  }
.Ltmp3:
0xce: {  	_ =	swait.ge [sflag:s7], $0x1000;
	(pc) =	sbr.rel @!p0 .LBB2_4-.Ltmp3, $4  }
0xcf: {  	[sflag:s7] =	ssyncset.done $0x0  }
0xd0: {  	[sflag:s7] =	ssyncadd.s32 $0xFFFFF000  }
0xd1: {  	[bflag:$0x0] =	sbarrier.arrive $0xFFFF  }
0xd2: {  	s6 =	simm.s32 $0x0  }
0xd3: {  	s7 =	rddreg [dreg:$0x11]  }
0xd4: {  	[tilespmem:s6], [sflag:$0x9] =	stream.linear.gather [hbm4b:s7+s6], $0x80, $0x38;
	[tilespmem:$0x14800] =	vst v63  }
0xd5: {  	s11 =	rddreg [dreg:$0x14]  }
0xd6: {  	[tilespmem:s12], [sflag:$0x9] =	stream.linear.gather [hbm4b:s11+s6], $0x80, $0x38;
	[tilespmem:$0x14800] =	vst v63  }
0xd7: {  	s13 =	rddreg [dreg:$0x15];
	s11 =	simm.s32 $0x100  }
0xd8: {  	[tilespmem:s11], [sflag:$0xA] =	stream.linear.gather [hbm4b:s13+s6], $0x80, $0x38;
	[tilespmem:$0x14800] =	vst v63  }
0xd9: {  	s13 =	rddreg [dreg:$0x16]  }
0xda: {  	[tilespmem:s14], [sflag:$0xA] =	stream.linear.gather [hbm4b:s13+s6], $0x80, $0x38;
	[tilespmem:$0x14800] =	vst v63  }
0xdb: {  	s13 =	rddreg [dreg:$0x17]  }
0xdc: {  	[tilespmem:s17], [sflag:$0xB] =	stream.linear.gather [hbm4b:s13+s6], $0x80, $0x38;
	[tilespmem:$0x14800] =	vst v63  }
0xdd: {  	s13 =	rddreg [dreg:$0x18]  }
0xde: {  	[tilespmem:s18], [sflag:$0xB] =	stream.linear.gather [hbm4b:s13+s6], $0x80, $0x38;
	[tilespmem:$0x14800] =	vst v63  }
0xdf: {  	s13 =	rddreg [dreg:$0x19]  }
0xe0: {  	[tilespmem:s19], [sflag:$0xC] =	stream.linear.gather [hbm4b:s13+s6], $0x80, $0x38;
	[tilespmem:$0x14800] =	vst v63  }
0xe1: {  	s13 =	rddreg [dreg:$0x1a]  }
0xe2: {  	[tilespmem:s20], [sflag:$0xC] =	stream.linear.gather [hbm4b:s13+s6], $0x80, $0x38;
	[tilespmem:$0x14800] =	vst v63  }
.LBB2_7:
0xe3: {  	_ =	swait.ge [sflag:s21], $0x80  }
0xe4: {  	[sflag:s21] =	ssyncset.done $0x0  }
0xe5: {  	[sflag:s21] =	ssyncadd.s32 $0xFFFFFF80  }
0xe6: {  	_ =	swait.ge [sflag:s21], $0x80  }
0xe7: {  	[sflag:s21] =	ssyncset.done $0x0  }
0xe8: {  	[sflag:s21] =	ssyncadd.s32 $0xFFFFFF80  }
0xe9: {  	[tilespmem:s23], [sflag:$0x1] =	stream.indirect.gather [hbm4b:s1+s22], $0x80, s4, s22, $0xb8;
	[tilespmem:$0x14800] =	vst v63  }
0xea: {  	_ =	swait.ge [sflag:s5], $0x80  }
0xeb: {  	[sflag:s5] =	ssyncset.done $0x0  }
0xec: {  	[sflag:s5] =	ssyncadd.s32 $0xFFFFFF80  }
0xed: {  	_ =	swait.ge [sflag:s5], $0x80  }
0xee: {  	[sflag:s5] =	ssyncset.done $0x0  }
0xef: {  	[sflag:s5] =	ssyncadd.s32 $0xFFFFFF80  }
0xf0: {  	[tilespmem:s15], [sflag:$0x2] =	stream.indirect.gather [hbm4b:s1+s22], $0x80, s11, s22, $0xb8;
	[tilespmem:$0x14800] =	vst v63  }
0xf1: {  	_ =	swait.ge [sflag:s16], $0x80  }
0xf2: {  	[sflag:s16] =	ssyncset.done $0x0  }
0xf3: {  	[sflag:s16] =	ssyncadd.s32 $0xFFFFFF80  }
0xf4: {  	_ =	swait.ge [sflag:s16], $0x80  }
0xf5: {  	[sflag:s16] =	ssyncset.done $0x0  }
0xf6: {  	[sflag:s16] =	ssyncadd.s32 $0xFFFFFF80  }
0xf7: {  	[tilespmem:s25], [sflag:$0x3] =	stream.indirect.gather [hbm4b:s1+s22], $0x80, s17, s22, $0xb8;
	[tilespmem:$0x14800] =	vst v63  }
0xf8: {  	_ =	swait.ge [sflag:s26], $0x80  }
0xf9: {  	[sflag:s26] =	ssyncset.done $0x0  }
0xfa: {  	[sflag:s26] =	ssyncadd.s32 $0xFFFFFF80  }
0xfb: {  	_ =	swait.ge [sflag:s26], $0x80  }
0xfc: {  	[sflag:s26] =	ssyncset.done $0x0  }
0xfd: {  	[sflag:s26] =	ssyncadd.s32 $0xFFFFFF80  }
0xfe: {  	[tilespmem:s28], [sflag:$0x4] =	stream.indirect.gather [hbm4b:s1+s22], $0x80, s19, s22, $0xb8;
	[tilespmem:$0x14800] =	vst v63  }
0xff: {  	_ =	swait.ge [sflag:s29], $0x2000  }
0x100: {  	[sflag:s29] =	ssyncset.done $0x0  }
0x101: {  	[sflag:s29] =	ssyncadd.s32 $0xFFFFE000  }
0x102: {  	[spmem:s3] =	stream.indirect.scatter.add.f32 [tilespmem:s23], [sflag:$0x5], $0x80, s12, s22, $0xb8;
	[tilespmem:$0x14800] =	vst v63  }
0x103: {  	v2 =	vld [tilespmem:$0x80];
	_ =	sdelay $0x7  }
0x104: {  	[tilespmem:v2+s30+$0x0] =	vst.idx.add.f32.msk $0xffff, v1  }
0x105: {  	v2 =	vld [tilespmem:$0x90];
	_ =	sdelay $0x7  }
0x106: {  	[tilespmem:v2+s30+$0x0] =	vst.idx.add.f32.msk $0xffff, v1  }
0x107: {  	v2 =	vld [tilespmem:$0xA0];
	_ =	sdelay $0x7  }
0x108: {  	[tilespmem:v2+s30+$0x0] =	vst.idx.add.f32.msk $0xffff, v1  }
0x109: {  	v2 =	vld [tilespmem:$0xB0];
	_ =	sdelay $0x7  }
0x10a: {  	[tilespmem:v2+s30+$0x0] =	vst.idx.add.f32.msk $0xffff, v1  }
0x10b: {  	_ =	swait.ge [sflag:s31], $0x2000  }
0x10c: {  	[sflag:s31] =	ssyncset.done $0x0  }
0x10d: {  	[sflag:s31] =	ssyncadd.s32 $0xFFFFE000  }
0x10e: {  	[spmem:s3] =	stream.indirect.scatter.add.f32 [tilespmem:s15], [sflag:$0x6], $0x80, s14, s22, $0xb8;
	[tilespmem:$0x14800] =	vst v63  }
0x10f: {  	v2 =	vld [tilespmem:$0x180];
	_ =	sdelay $0x7  }
0x110: {  	[tilespmem:v2+s30+$0x0] =	vst.idx.add.f32.msk $0xffff, v1  }
0x111: {  	v2 =	vld [tilespmem:$0x190];
	_ =	sdelay $0x7  }
0x112: {  	[tilespmem:v2+s30+$0x0] =	vst.idx.add.f32.msk $0xffff, v1  }
0x113: {  	v2 =	vld [tilespmem:$0x1A0];
	_ =	sdelay $0x7  }
0x114: {  	[tilespmem:v2+s30+$0x0] =	vst.idx.add.f32.msk $0xffff, v1  }
0x115: {  	v2 =	vld [tilespmem:$0x1B0];
	_ =	sdelay $0x7  }
0x116: {  	[tilespmem:v2+s30+$0x0] =	vst.idx.add.f32.msk $0xffff, v1  }
0x117: {  	_ =	swait.ge [sflag:s0], $0x2000  }
0x118: {  	[sflag:s0] =	ssyncset.done $0x0  }
0x119: {  	[sflag:s0] =	ssyncadd.s32 $0xFFFFE000  }
0x11a: {  	[spmem:s3] =	stream.indirect.scatter.add.f32 [tilespmem:s25], [sflag:$0x7], $0x80, s18, s22, $0xb8;
	[tilespmem:$0x14800] =	vst v63  }
0x11b: {  	v2 =	vld [tilespmem:$0x280];
	_ =	sdelay $0x7  }
0x11c: {  	[tilespmem:v2+s30+$0x0] =	vst.idx.add.f32.msk $0xffff, v1  }
0x11d: {  	v2 =	vld [tilespmem:$0x290];
	_ =	sdelay $0x7  }
0x11e: {  	[tilespmem:v2+s30+$0x0] =	vst.idx.add.f32.msk $0xffff, v1  }
0x11f: {  	v2 =	vld [tilespmem:$0x2A0];
	_ =	sdelay $0x7  }
0x120: {  	[tilespmem:v2+s30+$0x0] =	vst.idx.add.f32.msk $0xffff, v1  }
0x121: {  	v2 =	vld [tilespmem:$0x2B0];
	_ =	sdelay $0x7  }
0x122: {  	[tilespmem:v2+s30+$0x0] =	vst.idx.add.f32.msk $0xffff, v1  }
0x123: {  	_ =	swait.ge [sflag:s2], $0x2000  }
0x124: {  	[sflag:s2] =	ssyncset.done $0x0  }
0x125: {  	[sflag:s2] =	ssyncadd.s32 $0xFFFFE000  }
0x126: {  	[spmem:s3] =	stream.indirect.scatter.add.f32 [tilespmem:s28], [sflag:$0x8], $0x80, s20, s22, $0xb8;
	[tilespmem:$0x14800] =	vst v63  }
0x127: {  	v2 =	vld [tilespmem:$0x380];
	_ =	sdelay $0x7  }
0x128: {  	[tilespmem:v2+s30+$0x0] =	vst.idx.add.f32.msk $0xffff, v1  }
0x129: {  	v2 =	vld [tilespmem:$0x390];
	_ =	sdelay $0x7  }
0x12a: {  	[tilespmem:v2+s30+$0x0] =	vst.idx.add.f32.msk $0xffff, v1  }
0x12b: {  	v2 =	vld [tilespmem:$0x3A0];
	_ =	sdelay $0x7  }
0x12c: {  	[tilespmem:v2+s30+$0x0] =	vst.idx.add.f32.msk $0xffff, v1  }
0x12d: {  	v2 =	vld [tilespmem:$0x3B0];
	_ =	sdelay $0x7  }
0x12e: {  	[tilespmem:v2+s30+$0x0] =	vst.idx.add.f32.msk $0xffff, v1  }
0x12f: {  	_ =	swait.ge [sflag:s8], $0x2000  }
0x130: {  	s7 =	rddreg [dreg:$0x7]  }
0x131: {  	[sflag:s8] =	ssyncset.done $0x0;
	s11 =	rddreg [dreg:$0x8];
	s7 =	sadd.s32 s6, s7  }
0x132: {  	[sflag:s8] =	ssyncadd.s32 $0xFFFFE000;
	s11 =	sadd.s32 s6, s11;
	s13 =	sadd.s32 $0xF840, s7  }
0x133: {  	[tilespmem:s4], [sflag:$0x9] =	stream.linear.gather [hbm4b:s13+s4], $0x80, $0x38;
	[tilespmem:$0x14800] =	vst v63  }
0x134: {  	s13 =	sadd.s32 $0xF840, s11  }
0x135: {  	[tilespmem:s12], [sflag:$0x9] =	stream.linear.gather [hbm4b:s13+s4], $0x80, $0x38;
	[tilespmem:$0x14800] =	vst v63  }
0x136: {  	_ =	swait.ge [sflag:s9], $0x2000  }
0x137: {  	[sflag:s9] =	ssyncset.done $0x0  }
0x138: {  	s14 =	simm.s32 $0x100;
	s13 =	sadd.s32 $0xF850, s7;
	[sflag:s9] =	ssyncadd.s32 $0xFFFFE000  }
0x139: {  	[tilespmem:s14], [sflag:$0xA] =	stream.linear.gather [hbm4b:s13+s4], $0x80, $0x38;
	[tilespmem:$0x14800] =	vst v63  }
0x13a: {  	s14 =	simm.s32 $0x180;
	s13 =	sadd.s32 $0xF850, s11  }
0x13b: {  	[tilespmem:s14], [sflag:$0xA] =	stream.linear.gather [hbm4b:s13+s4], $0x80, $0x38;
	[tilespmem:$0x14800] =	vst v63  }
0x13c: {  	_ =	swait.ge [sflag:s24], $0x2000  }
0x13d: {  	[sflag:s24] =	ssyncset.done $0x0  }
0x13e: {  	s13 =	sadd.s32 $0xF860, s7;
	[sflag:s24] =	ssyncadd.s32 $0xFFFFE000  }
0x13f: {  	[tilespmem:s17], [sflag:$0xB] =	stream.linear.gather [hbm4b:s13+s4], $0x80, $0x38;
	[tilespmem:$0x14800] =	vst v63  }
0x140: {  	s13 =	sadd.s32 $0xF860, s11  }
0x141: {  	[tilespmem:s18], [sflag:$0xB] =	stream.linear.gather [hbm4b:s13+s4], $0x80, $0x38;
	[tilespmem:$0x14800] =	vst v63  }
0x142: {  	p1 =	sne.s32 s6, $0x400;
	_ =	swait.ge [sflag:s10], $0x2000  }
.Ltmp4:
0x143: {  	[sflag:s10] =	ssyncset.done $0x0;
	(pc) =	sbr.rel @p1 .LBB2_7-.Ltmp4, $4  }
0x144: {  	s7 =	sadd.s32 $0xF870, s7;
	[sflag:s10] =	ssyncadd.s32 $0xFFFFE000  }
0x145: {  	[tilespmem:s19], [sflag:$0xC] =	stream.linear.gather [hbm4b:s7+s4], $0x80, $0x38;
	[tilespmem:$0x14800] =	vst v63  }
0x146: {  	s6 =	sadd.s32 $0x40, s6;
	s13 =	sadd.s32 $0xF870, s11;
	s11 =	simm.s32 $0x100  }
0x147: {  	[tilespmem:s20], [sflag:$0xC] =	stream.linear.gather [hbm4b:s13+s4], $0x80, $0x38;
	[tilespmem:$0x14800] =	vst v63  }
.Ltmp5:
0x148: {  	_ = 	snop;
	(pc) =	sbr.rel .LBB2_8-.Ltmp5, $1  }
0x149: {  	_ =	sdelay $0x3  }
.LBB2_4:
0x14a: {  	s7 =	rddreg [dreg:$0x9]  }
0x14b: {  	[tilespmem:s6], [sflag:$0x9] =	stream.linear.gather [hbm4b:s7+s6], $0x80, $0x38;
	[tilespmem:$0x14800] =	vst v63  }
0x14c: {  	s11 =	rddreg [dreg:$0xa]  }
0x14d: {  	[tilespmem:s12], [sflag:$0x9] =	stream.linear.gather [hbm4b:s11+s6], $0x80, $0x38;
	[tilespmem:$0x14800] =	vst v63  }
0x14e: {  	s13 =	rddreg [dreg:$0xb];
	s11 =	simm.s32 $0x100  }
0x14f: {  	[tilespmem:s11], [sflag:$0xA] =	stream.linear.gather [hbm4b:s13+s6], $0x80, $0x38;
	[tilespmem:$0x14800] =	vst v63  }
0x150: {  	s13 =	rddreg [dreg:$0xc]  }
0x151: {  	[tilespmem:s14], [sflag:$0xA] =	stream.linear.gather [hbm4b:s13+s6], $0x80, $0x38;
	[tilespmem:$0x14800] =	vst v63  }
0x152: {  	s13 =	rddreg [dreg:$0xd]  }
0x153: {  	[tilespmem:s17], [sflag:$0xB] =	stream.linear.gather [hbm4b:s13+s6], $0x80, $0x38;
	[tilespmem:$0x14800] =	vst v63  }
0x154: {  	s13 =	rddreg [dreg:$0xe]  }
0x155: {  	[tilespmem:s18], [sflag:$0xB] =	stream.linear.gather [hbm4b:s13+s6], $0x80, $0x38;
	[tilespmem:$0x14800] =	vst v63  }
0x156: {  	s13 =	rddreg [dreg:$0xf]  }
0x157: {  	[tilespmem:s19], [sflag:$0xC] =	stream.linear.gather [hbm4b:s13+s6], $0x80, $0x38;
	[tilespmem:$0x14800] =	vst v63  }
0x158: {  	s13 =	rddreg [dreg:$0x10]  }
0x159: {  	[tilespmem:s20], [sflag:$0xC] =	stream.linear.gather [hbm4b:s13+s6], $0x80, $0x38;
	[tilespmem:$0x14800] =	vst v63  }
.LBB2_5:
0x15a: {  	_ =	swait.ge [sflag:s21], $0x80  }
0x15b: {  	[sflag:s21] =	ssyncset.done $0x0  }
0x15c: {  	[sflag:s21] =	ssyncadd.s32 $0xFFFFFF80  }
0x15d: {  	_ =	swait.ge [sflag:s21], $0x80  }
0x15e: {  	[sflag:s21] =	ssyncset.done $0x0  }
0x15f: {  	[sflag:s21] =	ssyncadd.s32 $0xFFFFFF80  }
0x160: {  	[tilespmem:s23], [sflag:$0x1] =	stream.indirect.gather [hbm4b:s1+s22], $0x80, s4, s22, $0xb8;
	[tilespmem:$0x14800] =	vst v63  }
0x161: {  	_ =	swait.ge [sflag:s5], $0x80  }
0x162: {  	[sflag:s5] =	ssyncset.done $0x0  }
0x163: {  	[sflag:s5] =	ssyncadd.s32 $0xFFFFFF80  }
0x164: {  	_ =	swait.ge [sflag:s5], $0x80  }
0x165: {  	[sflag:s5] =	ssyncset.done $0x0  }
0x166: {  	[sflag:s5] =	ssyncadd.s32 $0xFFFFFF80  }
0x167: {  	[tilespmem:s15], [sflag:$0x2] =	stream.indirect.gather [hbm4b:s1+s22], $0x80, s11, s22, $0xb8;
	[tilespmem:$0x14800] =	vst v63  }
0x168: {  	_ =	swait.ge [sflag:s16], $0x80  }
0x169: {  	[sflag:s16] =	ssyncset.done $0x0  }
0x16a: {  	[sflag:s16] =	ssyncadd.s32 $0xFFFFFF80  }
0x16b: {  	_ =	swait.ge [sflag:s16], $0x80  }
0x16c: {  	[sflag:s16] =	ssyncset.done $0x0  }
0x16d: {  	[sflag:s16] =	ssyncadd.s32 $0xFFFFFF80  }
0x16e: {  	[tilespmem:s25], [sflag:$0x3] =	stream.indirect.gather [hbm4b:s1+s22], $0x80, s17, s22, $0xb8;
	[tilespmem:$0x14800] =	vst v63  }
0x16f: {  	_ =	swait.ge [sflag:s26], $0x80  }
0x170: {  	[sflag:s26] =	ssyncset.done $0x0  }
0x171: {  	[sflag:s26] =	ssyncadd.s32 $0xFFFFFF80  }
0x172: {  	_ =	swait.ge [sflag:s26], $0x80  }
0x173: {  	[sflag:s26] =	ssyncset.done $0x0  }
0x174: {  	[sflag:s26] =	ssyncadd.s32 $0xFFFFFF80  }
0x175: {  	[tilespmem:s28], [sflag:$0x4] =	stream.indirect.gather [hbm4b:s1+s22], $0x80, s19, s22, $0xb8;
	[tilespmem:$0x14800] =	vst v63  }
0x176: {  	_ =	swait.ge [sflag:s29], $0x2000  }
0x177: {  	[sflag:s29] =	ssyncset.done $0x0  }
0x178: {  	[sflag:s29] =	ssyncadd.s32 $0xFFFFE000  }
0x179: {  	[spmem:s3] =	stream.indirect.scatter.add.f32 [tilespmem:s23], [sflag:$0x5], $0x80, s12, s22, $0xb8;
	[tilespmem:$0x14800] =	vst v63  }
0x17a: {  	v2 =	vld [tilespmem:$0x80];
	_ =	sdelay $0x7  }
0x17b: {  	[tilespmem:v2+s30+$0x0] =	vst.idx.add.f32.msk $0xffff, v1  }
0x17c: {  	v2 =	vld [tilespmem:$0x90];
	_ =	sdelay $0x7  }
0x17d: {  	[tilespmem:v2+s30+$0x0] =	vst.idx.add.f32.msk $0xffff, v1  }
0x17e: {  	v2 =	vld [tilespmem:$0xA0];
	_ =	sdelay $0x7  }
0x17f: {  	[tilespmem:v2+s30+$0x0] =	vst.idx.add.f32.msk $0xffff, v1  }
0x180: {  	v2 =	vld [tilespmem:$0xB0];
	_ =	sdelay $0x7  }
0x181: {  	[tilespmem:v2+s30+$0x0] =	vst.idx.add.f32.msk $0xffff, v1  }
0x182: {  	_ =	swait.ge [sflag:s31], $0x2000  }
0x183: {  	[sflag:s31] =	ssyncset.done $0x0  }
0x184: {  	[sflag:s31] =	ssyncadd.s32 $0xFFFFE000  }
0x185: {  	[spmem:s3] =	stream.indirect.scatter.add.f32 [tilespmem:s15], [sflag:$0x6], $0x80, s14, s22, $0xb8;
	[tilespmem:$0x14800] =	vst v63  }
0x186: {  	v2 =	vld [tilespmem:$0x180];
	_ =	sdelay $0x7  }
0x187: {  	[tilespmem:v2+s30+$0x0] =	vst.idx.add.f32.msk $0xffff, v1  }
0x188: {  	v2 =	vld [tilespmem:$0x190];
	_ =	sdelay $0x7  }
0x189: {  	[tilespmem:v2+s30+$0x0] =	vst.idx.add.f32.msk $0xffff, v1  }
0x18a: {  	v2 =	vld [tilespmem:$0x1A0];
	_ =	sdelay $0x7  }
0x18b: {  	[tilespmem:v2+s30+$0x0] =	vst.idx.add.f32.msk $0xffff, v1  }
0x18c: {  	v2 =	vld [tilespmem:$0x1B0];
	_ =	sdelay $0x7  }
0x18d: {  	[tilespmem:v2+s30+$0x0] =	vst.idx.add.f32.msk $0xffff, v1  }
0x18e: {  	_ =	swait.ge [sflag:s0], $0x2000  }
0x18f: {  	[sflag:s0] =	ssyncset.done $0x0  }
0x190: {  	[sflag:s0] =	ssyncadd.s32 $0xFFFFE000  }
0x191: {  	[spmem:s3] =	stream.indirect.scatter.add.f32 [tilespmem:s25], [sflag:$0x7], $0x80, s18, s22, $0xb8;
	[tilespmem:$0x14800] =	vst v63  }
0x192: {  	v2 =	vld [tilespmem:$0x280];
	_ =	sdelay $0x7  }
0x193: {  	[tilespmem:v2+s30+$0x0] =	vst.idx.add.f32.msk $0xffff, v1  }
0x194: {  	v2 =	vld [tilespmem:$0x290];
	_ =	sdelay $0x7  }
0x195: {  	[tilespmem:v2+s30+$0x0] =	vst.idx.add.f32.msk $0xffff, v1  }
0x196: {  	v2 =	vld [tilespmem:$0x2A0];
	_ =	sdelay $0x7  }
0x197: {  	[tilespmem:v2+s30+$0x0] =	vst.idx.add.f32.msk $0xffff, v1  }
0x198: {  	v2 =	vld [tilespmem:$0x2B0];
	_ =	sdelay $0x7  }
0x199: {  	[tilespmem:v2+s30+$0x0] =	vst.idx.add.f32.msk $0xffff, v1  }
0x19a: {  	_ =	swait.ge [sflag:s2], $0x2000  }
0x19b: {  	[sflag:s2] =	ssyncset.done $0x0  }
0x19c: {  	[sflag:s2] =	ssyncadd.s32 $0xFFFFE000  }
0x19d: {  	[spmem:s3] =	stream.indirect.scatter.add.f32 [tilespmem:s28], [sflag:$0x8], $0x80, s20, s22, $0xb8;
	[tilespmem:$0x14800] =	vst v63  }
0x19e: {  	v2 =	vld [tilespmem:$0x380];
	_ =	sdelay $0x7  }
0x19f: {  	[tilespmem:v2+s30+$0x0] =	vst.idx.add.f32.msk $0xffff, v1  }
0x1a0: {  	v2 =	vld [tilespmem:$0x390];
	_ =	sdelay $0x7  }
0x1a1: {  	[tilespmem:v2+s30+$0x0] =	vst.idx.add.f32.msk $0xffff, v1  }
0x1a2: {  	v2 =	vld [tilespmem:$0x3A0];
	_ =	sdelay $0x7  }
0x1a3: {  	[tilespmem:v2+s30+$0x0] =	vst.idx.add.f32.msk $0xffff, v1  }
0x1a4: {  	v2 =	vld [tilespmem:$0x3B0];
	_ =	sdelay $0x7  }
0x1a5: {  	[tilespmem:v2+s30+$0x0] =	vst.idx.add.f32.msk $0xffff, v1  }
0x1a6: {  	_ =	swait.ge [sflag:s8], $0x2000  }
0x1a7: {  	s7 =	rddreg [dreg:$0x9]  }
0x1a8: {  	[sflag:s8] =	ssyncset.done $0x0;
	s7 =	sadd.s32 s6, s7  }
0x1a9: {  	[sflag:s8] =	ssyncadd.s32 $0xFFFFE000;
	s13 =	sadd.s32 $0x40, s7  }
0x1aa: {  	[tilespmem:s4], [sflag:$0x9] =	stream.linear.gather [hbm4b:s13+s4], $0x80, $0x38;
	[tilespmem:$0x14800] =	vst v63  }
0x1ab: {  	s13 =	rddreg [dreg:$0xa]  }
0x1ac: {  	s11 =	sadd.s32 s6, s13  }
0x1ad: {  	s13 =	sadd.s32 $0x40, s11  }
0x1ae: {  	[tilespmem:s12], [sflag:$0x9] =	stream.linear.gather [hbm4b:s13+s4], $0x80, $0x38;
	[tilespmem:$0x14800] =	vst v63  }
0x1af: {  	_ =	swait.ge [sflag:s9], $0x2000  }
0x1b0: {  	[sflag:s9] =	ssyncset.done $0x0  }
0x1b1: {  	s14 =	simm.s32 $0x100;
	s13 =	sadd.s32 $0x50, s7;
	[sflag:s9] =	ssyncadd.s32 $0xFFFFE000  }
0x1b2: {  	[tilespmem:s14], [sflag:$0xA] =	stream.linear.gather [hbm4b:s13+s4], $0x80, $0x38;
	[tilespmem:$0x14800] =	vst v63  }
0x1b3: {  	s14 =	simm.s32 $0x180;
	s13 =	sadd.s32 $0x50, s11  }
0x1b4: {  	[tilespmem:s14], [sflag:$0xA] =	stream.linear.gather [hbm4b:s13+s4], $0x80, $0x38;
	[tilespmem:$0x14800] =	vst v63  }
0x1b5: {  	_ =	swait.ge [sflag:s24], $0x2000  }
0x1b6: {  	[sflag:s24] =	ssyncset.done $0x0  }
0x1b7: {  	s13 =	sadd.s32 $0x60, s7;
	[sflag:s24] =	ssyncadd.s32 $0xFFFFE000  }
0x1b8: {  	[tilespmem:s17], [sflag:$0xB] =	stream.linear.gather [hbm4b:s13+s4], $0x80, $0x38;
	[tilespmem:$0x14800] =	vst v63  }
0x1b9: {  	s13 =	sadd.s32 $0x60, s11  }
0x1ba: {  	[tilespmem:s18], [sflag:$0xB] =	stream.linear.gather [hbm4b:s13+s4], $0x80, $0x38;
	[tilespmem:$0x14800] =	vst v63  }
0x1bb: {  	p1 =	seq.s32 s6, $0xF00;
	_ =	swait.ge [sflag:s10], $0x2000  }
.Ltmp6:
0x1bc: {  	[sflag:s10] =	ssyncset.done $0x0;
	(pc) =	sbr.rel @!p1 .LBB2_5-.Ltmp6, $4  }
0x1bd: {  	s7 =	sadd.s32 $0x70, s7;
	[sflag:s10] =	ssyncadd.s32 $0xFFFFE000  }
0x1be: {  	[tilespmem:s19], [sflag:$0xC] =	stream.linear.gather [hbm4b:s7+s4], $0x80, $0x38;
	[tilespmem:$0x14800] =	vst v63  }
0x1bf: {  	s6 =	sadd.s32 $0x40, s6;
	s13 =	sadd.s32 $0x70, s11;
	s11 =	simm.s32 $0x100  }
0x1c0: {  	[tilespmem:s20], [sflag:$0xC] =	stream.linear.gather [hbm4b:s13+s4], $0x80, $0x38;
	[tilespmem:$0x14800] =	vst v63  }
.Ltmp7:
0x1c1: {  	_ = 	snop;
	(pc) =	sbr.rel .LBB2_8-.Ltmp7, $1  }
0x1c2: {  	_ =	sdelay $0x3  }
.LBB2_9:
0x1c3: {  	_ =	sfence.sel $0x180000  }
0x1c4: {  	[bflag:$0x0] =	sbarrier.arrive $0xFFFF  }
0x1c5: {  	_ =	strace $0x90000047  }
0x1c6: {  	s0 =	stileid.u32;
	[bflag:$0x2] =	sbarrier.arrive $0xFFFF  }
0x1c7: {  	p0 =	sne.s32 s0, $0x0;
	s0 =	rddreg [dreg:$0x6]  }
0x1c8: {  	s0 =	sadd.s32 @!p0 $0x100000, s0  }
0x1c9: {  	[sflag:s0] =	ssyncadd.tile.s32 @!p0 $0x1;
	_ =	shalt  }
.Lfunc_end2:
_tile_overlayer_lowered:
.L_overlay_start_2:
0x1ca: {  	(tag) =	ssettag $0x2  }
0x1cb: {  	s0 =	rddreg [dreg:$0x0];
	s2 =	stileid.u32  }
0x1cc: {  	s1 =	rddreg [dreg:$0x1];
	p0 =	sne.s32 s2, $0x0  }
0x1cd: {  	s3 =	rddreg [dreg:$0x2];
	[bflag:$0x3] =	sbarrier.arrive $0xFFFF;
	s2 =	simm.s32 @!p0 $0x1C0D  }
0x1ce: {  	[timem:s3], [sflag:s2] =	dma.local @!p0 [hbm:s0], s1  }
0x1cf: {  	s0 =	simm.s32 @!p0 $0xD  }
0x1d0: {  	_ =	swait.ge @!p0 [sflag:s0], s1  }
0x1d1: {  	s1 =	ssub.s32 @!p0 $0x0, s1;
	[sflag:s0] =	ssyncset.done @!p0 $0x0  }
0x1d2: {  	[sflag:s0] =	ssyncadd.s32 @!p0 s1  }
0x1d3: {  	[bflag:$0x3] =	sbarrier.arrive $0xFFFF  }
0x1d4: {  	_ =	shalt  }

</sc_bundles>
